<compile_context>
chip_gen: v7x
topology: tpu7x:2x2x1
jax: 0.10.2.dev20260603
libtpu: 0.0.44.dev20260713+nightly
codegen_flags: <defaults>
</compile_context>

<pallas_src>
import functools

import jax
import jax.numpy as jnp
from jax import lax
from jax.experimental import pallas as pl
from jax.experimental.pallas import tpu as pltpu
from jax.experimental.pallas import tpu_sc as plsc

N = 10000
E = 320000
F_IN = 128
H = 4
C = 64
HC = H * C

NC = 2
NS = 16
NW = NC * NS
K = 80
EPT = E // NW
EPC = E // NS

_MESH = plsc.VectorSubcoreMesh(
    core_axis_name="c", subcore_axis_name="s", num_cores=NC, num_subcores=NS
)


def _mm_body(x_ref, wl_ref, bl_ref, wr_ref, br_ref, xl_ref, xr_ref):
    xb = x_ref[...]
    xl_ref[...] = jnp.dot(xb, wl_ref[...], preferred_element_type=jnp.float32) + bl_ref[...]
    xr_ref[...] = jnp.dot(xb, wr_ref[...], preferred_element_type=jnp.float32) + br_ref[...]


def _node_transforms(x, Wl, bl, Wr, br):
    blk = 1000
    return pl.pallas_call(
        _mm_body,
        grid=(N // blk,),
        in_specs=[
            pl.BlockSpec((blk, F_IN), lambda i: (i, 0)),
            pl.BlockSpec((F_IN, HC), lambda i: (0, 0)),
            pl.BlockSpec((1, HC), lambda i: (0, 0)),
            pl.BlockSpec((F_IN, HC), lambda i: (0, 0)),
            pl.BlockSpec((1, HC), lambda i: (0, 0)),
        ],
        out_specs=[
            pl.BlockSpec((blk, HC), lambda i: (i, 0)),
            pl.BlockSpec((blk, HC), lambda i: (i, 0)),
        ],
        out_shape=[
            jax.ShapeDtypeStruct((N, HC), jnp.float32),
            jax.ShapeDtypeStruct((N, HC), jnp.float32),
        ],
    )(x, Wl, bl.reshape(1, HC), Wr, br.reshape(1, HC))


@functools.partial(
    pl.kernel,
    mesh=_MESH,
    out_type=[
        jax.ShapeDtypeStruct((E, HC), jnp.float32),
        jax.ShapeDtypeStruct((E, HC), jnp.float32),
    ],
    scratch_types=[
        pltpu.VMEM((K,), jnp.int32),
        pltpu.VMEM((K,), jnp.int32),
        pltpu.VMEM((K, HC), jnp.float32),
        pltpu.VMEM((K, HC), jnp.float32),
    ],
)
def _sc_gather_rows(xl_hbm, xr_hbm, src_hbm, dst_hbm, gl_hbm, gr_hbm,
                    si_v, di_v, xlr_v, xrr_v):
    wid = lax.axis_index("s") * NC + lax.axis_index("c")
    tbase = wid * EPT

    @pl.loop(0, EPT // K)
    def _(i):
        base = tbase + i * K
        pltpu.sync_copy(src_hbm.at[pl.ds(base, K)], si_v)
        pltpu.sync_copy(dst_hbm.at[pl.ds(base, K)], di_v)
        pltpu.sync_copy(xl_hbm.at[si_v], xlr_v)
        pltpu.sync_copy(xr_hbm.at[di_v], xrr_v)
        pltpu.sync_copy(xlr_v, gl_hbm.at[pl.ds(base, K)])
        pltpu.sync_copy(xrr_v, gr_hbm.at[pl.ds(base, K)])


def _ex_body(gl_ref, gr_ref, ea_ref, we_ref, be_ref, s1_ref, ex_ref):
    m = gl_ref[...] + gr_ref[...] + ea_ref[...] * we_ref[...] + be_ref[...]
    a = jnp.where(m > 0, m, 0.2 * m)
    logits = jnp.dot(a, s1_ref[...], preferred_element_type=jnp.float32)
    ex_ref[...] = jnp.exp(logits)


def _edge_ex(gl, gr, edge_attr, We, be, att):
    blk = 1000
    s1 = (jax.nn.one_hot(jnp.arange(HC) // C, 128, dtype=jnp.float32)
          * att.reshape(HC)[:, None])
    return pl.pallas_call(
        _ex_body,
        grid=(E // blk,),
        in_specs=[
            pl.BlockSpec((blk, HC), lambda i: (i, 0)),
            pl.BlockSpec((blk, HC), lambda i: (i, 0)),
            pl.BlockSpec((blk, 1), lambda i: (i, 0)),
            pl.BlockSpec((1, HC), lambda i: (0, 0)),
            pl.BlockSpec((1, HC), lambda i: (0, 0)),
            pl.BlockSpec((HC, 128), lambda i: (0, 0)),
        ],
        out_specs=pl.BlockSpec((blk, 128), lambda i: (i, 0)),
        out_shape=jax.ShapeDtypeStruct((E, 128), jnp.float32),
    )(gl, gr, edge_attr, We, be.reshape(1, HC), s1)


@functools.partial(
    pl.kernel,
    mesh=_MESH,
    out_type=jax.ShapeDtypeStruct((NC, N, 128), jnp.float32),
    scratch_types=[
        pltpu.VMEM((K,), jnp.int32),
        pltpu.VMEM((K, 128), jnp.float32),
        pltpu.VMEM_SHARED((N, 128), jnp.float32),
    ],
)
def _sc_denom(ex_hbm, dst_hbm, z_hbm, p_hbm, di_v, exr_v, acc_sh):
    cid = lax.axis_index("c")
    sid = lax.axis_index("s")
    wid = sid * NC + cid
    tbase = wid * EPT

    @pl.when(sid == 0)
    def _():
        pltpu.sync_copy(z_hbm, acc_sh)

    plsc.subcore_barrier()

    @pl.loop(0, EPT // K)
    def _(i):
        base = tbase + i * K
        pltpu.sync_copy(dst_hbm.at[pl.ds(base, K)], di_v)
        pltpu.sync_copy(ex_hbm.at[pl.ds(base, K)], exr_v)
        pltpu.sync_copy(exr_v, acc_sh.at[di_v], add=True)

    plsc.subcore_barrier()

    @pl.when(sid == 0)
    def _():
        pltpu.sync_copy(acc_sh, p_hbm.at[cid])


def _recip_body(p0_ref, p1_ref, r_ref):
    r_ref[...] = 1.0 / (p0_ref[...] + p1_ref[...] + 1e-16)


def _denom_recip(p):
    blk = 1000
    return pl.pallas_call(
        _recip_body,
        grid=(N // blk,),
        in_specs=[
            pl.BlockSpec((blk, 128), lambda i: (i, 0)),
            pl.BlockSpec((blk, 128), lambda i: (i, 0)),
        ],
        out_specs=pl.BlockSpec((blk, 128), lambda i: (i, 0)),
        out_shape=jax.ShapeDtypeStruct((N, 128), jnp.float32),
    )(p[0], p[1])


@functools.partial(
    pl.kernel,
    mesh=_MESH,
    out_type=jax.ShapeDtypeStruct((E, 128), jnp.float32),
    scratch_types=[
        pltpu.VMEM((K,), jnp.int32),
        pltpu.VMEM((K, 128), jnp.float32),
    ],
)
def _sc_gather_recip(r_hbm, dst_hbm, rg_hbm, di_v, rr_v):
    wid = lax.axis_index("s") * NC + lax.axis_index("c")
    tbase = wid * EPT

    @pl.loop(0, EPT // K)
    def _(i):
        base = tbase + i * K
        pltpu.sync_copy(dst_hbm.at[pl.ds(base, K)], di_v)
        pltpu.sync_copy(r_hbm.at[di_v], rr_v)
        pltpu.sync_copy(rr_v, rg_hbm.at[pl.ds(base, K)])


def _msgs_body(ex_ref, rg_ref, gl_ref, s2_ref, m0_ref, m1_ref):
    alpha = ex_ref[:, :16] * rg_ref[:, :16]
    ab = jnp.dot(alpha, s2_ref[...], preferred_element_type=jnp.float32)
    msgs = ab * gl_ref[...]
    m0_ref[...] = msgs[:, : HC // 2]
    m1_ref[...] = msgs[:, HC // 2 :]


def _edge_msgs(ex, rg, gl):
    blk = 1000
    s2 = jax.nn.one_hot(jnp.arange(HC) // C, 16, dtype=jnp.float32).T
    return pl.pallas_call(
        _msgs_body,
        grid=(E // blk,),
        in_specs=[
            pl.BlockSpec((blk, 128), lambda i: (i, 0)),
            pl.BlockSpec((blk, 128), lambda i: (i, 0)),
            pl.BlockSpec((blk, HC), lambda i: (i, 0)),
            pl.BlockSpec((16, HC), lambda i: (0, 0)),
        ],
        out_specs=[
            pl.BlockSpec((blk, HC // 2), lambda i: (i, 0)),
            pl.BlockSpec((blk, HC // 2), lambda i: (i, 0)),
        ],
        out_shape=[
            jax.ShapeDtypeStruct((E, HC // 2), jnp.float32),
            jax.ShapeDtypeStruct((E, HC // 2), jnp.float32),
        ],
    )(ex, rg, gl, s2)


@functools.partial(
    pl.kernel,
    mesh=_MESH,
    out_type=jax.ShapeDtypeStruct((NC, N, HC // 2), jnp.float32),
    scratch_types=[
        pltpu.VMEM((K,), jnp.int32),
        pltpu.VMEM((K, HC // 2), jnp.float32),
        pltpu.VMEM_SHARED((N, HC // 2), jnp.float32),
    ],
)
def _sc_scatter_out(m0_hbm, m1_hbm, dst_hbm, z_hbm, out_hbm, di_v, mr_v, acc_sh):
    cid = lax.axis_index("c")
    sid = lax.axis_index("s")
    tbase = sid * EPC

    @pl.when(sid == 0)
    def _():
        pltpu.sync_copy(z_hbm, acc_sh)

    plsc.subcore_barrier()

    def _accumulate(m_hbm):
        @pl.loop(0, EPC // K)
        def _(i):
            base = tbase + i * K
            pltpu.sync_copy(dst_hbm.at[pl.ds(base, K)], di_v)
            pltpu.sync_copy(m_hbm.at[pl.ds(base, K)], mr_v)
            pltpu.sync_copy(mr_v, acc_sh.at[di_v], add=True)

    @pl.when(cid == 0)
    def _():
        _accumulate(m0_hbm)

    @pl.when(cid == 1)
    def _():
        _accumulate(m1_hbm)

    plsc.subcore_barrier()

    @pl.when(sid == 0)
    def _():
        pltpu.sync_copy(acc_sh, out_hbm.at[cid])


def kernel(x, edge_index, edge_attr, Wl, bl, Wr, br, We, be, att, b_out):
    src = edge_index[0]
    dst = edge_index[1]
    xl2, xr2 = _node_transforms(x, Wl, bl, Wr, br)
    gl, gr = _sc_gather_rows(xl2, xr2, src, dst)
    ex = _edge_ex(gl, gr, edge_attr, We, be, att)
    p = _sc_denom(ex, dst, jnp.zeros((N, 128), jnp.float32))
    recip = _denom_recip(p)
    rg = _sc_gather_recip(recip, dst)
    m0, m1 = _edge_msgs(ex, rg, gl)
    out2 = _sc_scatter_out(m0, m1, dst, jnp.zeros((N, HC // 2), jnp.float32))
    out = jnp.concatenate([out2[0], out2[1]], axis=1)
    return out + b_out

# --- scband reference (transcript-rebuilt; emitter-appended) ---
"""Pipeline reference for scband-base-policy-16947940950103 (READ-ONLY COPY).

The authoritative reference and input builder live on the scoring server;
editing this copy changes nothing except your own understanding.
"""

import jax, jax.numpy as jnp
import numpy as np

N = 10000
E = 320000
F_IN = 128
H = 4
C = 64


def setup_inputs(seed: int = 0) -> dict:
    key = jax.random.key(seed)
    ks = jax.random.split(key, 12)
    x = jax.random.normal(ks[0], (N, F_IN), dtype=jnp.float32)
    edge_index = jax.random.randint(ks[1], (2, E), 0, N, dtype=jnp.int32)
    edge_attr = jax.random.normal(ks[2], (E, 1), dtype=jnp.float32)
    s_in = 1.0 / np.sqrt(F_IN)
    s_e = 1.0
    Wl = jax.random.normal(ks[3], (F_IN, H * C), dtype=jnp.float32) * s_in
    bl = jnp.zeros((H * C,), dtype=jnp.float32)
    Wr = jax.random.normal(ks[4], (F_IN, H * C), dtype=jnp.float32) * s_in
    br = jnp.zeros((H * C,), dtype=jnp.float32)
    We = jax.random.normal(ks[5], (1, H * C), dtype=jnp.float32) * s_e
    be = jnp.zeros((H * C,), dtype=jnp.float32)
    att = jax.random.normal(ks[6], (H, C), dtype=jnp.float32) * (1.0 / np.sqrt(C))
    b_out = jnp.zeros((H * C,), dtype=jnp.float32)
    return {"x": x, "edge_index": edge_index, "edge_attr": edge_attr,
            "Wl": Wl, "bl": bl, "Wr": Wr, "br": br, "We": We, "be": be,
            "att": att, "b_out": b_out}


def reference(x, edge_index, edge_attr, Wl, bl, Wr, br, We, be, att, b_out):
    # GATv2Conv(in=F_IN, out=C, heads=H, edge_dim=1, concat=True, negative_slope=0.2)
    src = edge_index[0]
    dst = edge_index[1]
    x_l = (x @ Wl + bl).reshape(N, H, C)   # source transform
    x_r = (x @ Wr + br).reshape(N, H, C)   # target transform
    e_f = (edge_attr @ We + be).reshape(E, H, C)
    m = x_l[src] + x_r[dst] + e_f          # [E, H, C]
    a = jax.nn.leaky_relu(m, negative_slope=0.2)
    logits = jnp.sum(a * att[None, :, :], axis=-1)  # [E, H]
    # softmax over incoming edges of each destination node
    lmax = jax.ops.segment_max(logits, dst, num_segments=N)
    lmax = jnp.where(jnp.isfinite(lmax), lmax, 0.0)
    ex = jnp.exp(logits - lmax[dst])
    denom = jax.ops.segment_sum(ex, dst, num_segments=N)
    alpha = ex / (denom[dst] + 1e-16)      # [E, H]
    msgs = alpha[:, :, None] * x_l[src]    # [E, H, C]
    out = jax.ops.segment_sum(msgs, dst, num_segments=N)  # [N, H, C]
    return out.reshape(N, H * C) + b_out

if __name__ == "__main__":
    import jax
    _d = setup_inputs()
    print(jax.jit(kernel)(*tuple(_d.values())))

</pallas_src>

<mosaic_0001>
#map = affine_map<(d0, d1) -> (0, 0)>
#map1 = affine_map<(d0, d1) -> (0)>
#map2 = affine_map<(d0, d1) -> (0, 0, 0)>
module attributes {stable_mosaic.version = 14 : i64} {
  func.func @_sc_denom(%arg0: i32, %arg1: i32, %arg2: memref<320000x128xf32, #tpu.memory_space<hbm>>, %arg3: memref<320000xi32, #tpu.memory_space<hbm>>, %arg4: memref<10000x128xf32, #tpu.memory_space<hbm>>, %arg5: memref<2x10000x128xf32, #tpu.memory_space<hbm>>, %arg6: memref<80xi32, #tpu.memory_space<vmem>>, %arg7: memref<80x128xf32, #tpu.memory_space<vmem>>, %arg8: memref<10000x128xf32, #tpu.memory_space<vmem_shared>>) attributes {dimension_semantics = [#tpu.dimension_semantics<core_parallel>, #tpu.dimension_semantics<subcore_parallel>], iteration_bounds = array<i64: 2, 16>, scalar_prefetch = 0 : i64, scratch_operands = 3 : i64, tpu.core_type = #tpu.core_type<sc_vector_subcore>, window_params = [{transform_indices = #map}, {transform_indices = #map1}, {transform_indices = #map}, {transform_indices = #map2}]} {
    %mul3A = arith.constant 2 : i32
    %mul3A_0 = arith.muli %arg1, %mul3A : i32
    %add3A = arith.addi %mul3A_0, %arg0 : i32
    %mul3A_1 = arith.constant 10000 : i32
    %mul3A_2 = arith.muli %add3A, %mul3A_1 : i32
    %eq3A = arith.constant 0 : i32
    %eq3A_3 = arith.cmpi eq, %arg1, %eq3A : i32
    %convert_element_type3A = arith.extui %eq3A_3 : i1 to i32
    %cond3A = arith.constant 0 : i32
    %cond3A_4 = arith.cmpi ne, %convert_element_type3A, %cond3A : i32
    scf.if %cond3A_4 {
      "tpu.region"() ({
        %run_scoped3A = tpu.sem_alloc : memref<!tpu.dma_semaphore, #tpu.memory_space<semaphore_mem>>
        tpu.enqueue_dma source(%arg4 : memref<10000x128xf32, #tpu.memory_space<hbm>>) target(%arg8 : memref<10000x128xf32, #tpu.memory_space<vmem_shared>>) target_semaphore(%run_scoped3A : memref<!tpu.dma_semaphore, #tpu.memory_space<semaphore_mem>>)
        tpu.wait_dma2 semaphore(%run_scoped3A : memref<!tpu.dma_semaphore, #tpu.memory_space<semaphore_mem>>) src(%arg4 : memref<10000x128xf32, #tpu.memory_space<hbm>>) dst(%arg8 : memref<10000x128xf32, #tpu.memory_space<vmem_shared>>)
        tpu.yield
      }) : () -> ()
    } else {
    }
    %barrier3A = arith.constant 0 : index
    tpu.barrier barrier_id(%barrier3A)
    %scan3A = arith.constant 0 : i32
    %scan3A_5 = arith.constant 125 : i32
    %scan3A_6 = arith.addi %scan3A, %scan3A_5 : i32
    %scan3A_7 = arith.constant 1 : i32
    scf.for %scan3A_15 = %scan3A to %scan3A_6 step %scan3A_7  : i32 {
      %mul3A_16 = arith.constant 1 : i32
      %mul3A_17 = arith.muli %scan3A_15, %mul3A_16 : i32
      %add3A_18 = arith.constant 0 : i32
      %add3A_19 = arith.addi %add3A_18, %mul3A_17 : i32
      %mul3A_20 = arith.constant 80 : i32
      %mul3A_21 = arith.muli %add3A_19, %mul3A_20 : i32
      %add3A_22 = arith.addi %mul3A_2, %mul3A_21 : i32
      "tpu.region"() ({
        %run_scoped3A = tpu.sem_alloc : memref<!tpu.dma_semaphore, #tpu.memory_space<semaphore_mem>>
        %dma_start3A = tpu.memref_slice %arg3[%add3A_22] : memref<320000xi32, #tpu.memory_space<hbm>> -> memref<80xi32, #tpu.memory_space<hbm>>
        %dma_start3A_23 = tpu.memref_slice %arg3[%add3A_22] : memref<320000xi32, #tpu.memory_space<hbm>> -> memref<80xi32, #tpu.memory_space<hbm>>
        tpu.enqueue_dma source(%dma_start3A_23 : memref<80xi32, #tpu.memory_space<hbm>>) target(%arg6 : memref<80xi32, #tpu.memory_space<vmem>>) target_semaphore(%run_scoped3A : memref<!tpu.dma_semaphore, #tpu.memory_space<semaphore_mem>>)
        %dma_wait3A = tpu.memref_slice %arg3[%add3A_22] : memref<320000xi32, #tpu.memory_space<hbm>> -> memref<80xi32, #tpu.memory_space<hbm>>
        %dma_wait3A_24 = tpu.memref_slice %arg3[%add3A_22] : memref<320000xi32, #tpu.memory_space<hbm>> -> memref<80xi32, #tpu.memory_space<hbm>>
        tpu.wait_dma2 semaphore(%run_scoped3A : memref<!tpu.dma_semaphore, #tpu.memory_space<semaphore_mem>>) src(%dma_wait3A_24 : memref<80xi32, #tpu.memory_space<hbm>>) dst(%arg6 : memref<80xi32, #tpu.memory_space<vmem>>)
        tpu.yield
      }) : () -> ()
      "tpu.region"() ({
        %run_scoped3A = tpu.sem_alloc : memref<!tpu.dma_semaphore, #tpu.memory_space<semaphore_mem>>
        %dma_start3A = arith.constant 0 : i32
        %dma_start3A_23 = tpu.memref_slice %arg2[%add3A_22, %dma_start3A] : memref<320000x128xf32, #tpu.memory_space<hbm>> -> memref<80x128xf32, #tpu.memory_space<hbm>>
        %dma_start3A_24 = arith.constant 0 : i32
        %dma_start3A_25 = tpu.memref_slice %arg2[%add3A_22, %dma_start3A_24] : memref<320000x128xf32, #tpu.memory_space<hbm>> -> memref<80x128xf32, #tpu.memory_space<hbm>>
        tpu.enqueue_dma source(%dma_start3A_25 : memref<80x128xf32, #tpu.memory_space<hbm>>) target(%arg7 : memref<80x128xf32, #tpu.memory_space<vmem>>) target_semaphore(%run_scoped3A : memref<!tpu.dma_semaphore, #tpu.memory_space<semaphore_mem>>)
        %dma_wait3A = arith.constant 0 : i32
        %dma_wait3A_26 = tpu.memref_slice %arg2[%add3A_22, %dma_wait3A] : memref<320000x128xf32, #tpu.memory_space<hbm>> -> memref<80x128xf32, #tpu.memory_space<hbm>>
        %dma_wait3A_27 = arith.constant 0 : i32
        %dma_wait3A_28 = tpu.memref_slice %arg2[%add3A_22, %dma_wait3A_27] : memref<320000x128xf32, #tpu.memory_space<hbm>> -> memref<80x128xf32, #tpu.memory_space<hbm>>
        tpu.wait_dma2 semaphore(%run_scoped3A : memref<!tpu.dma_semaphore, #tpu.memory_space<semaphore_mem>>) src(%dma_wait3A_28 : memref<80x128xf32, #tpu.memory_space<hbm>>) dst(%arg7 : memref<80x128xf32, #tpu.memory_space<vmem>>)
        tpu.yield
      }) : () -> ()
      "tpu.region"() ({
        %run_scoped3A = tpu.sem_alloc : memref<!tpu.dma_semaphore, #tpu.memory_space<semaphore_mem>>
        %dma_start3A = arith.constant 0 : i32
        %dma_start3A_23 = arith.constant 0 : i32
        %dma_start3A_24 = tpu.memref_slice %arg8[%dma_start3A, %dma_start3A_23] : memref<10000x128xf32, #tpu.memory_space<vmem_shared>> -> memref<10000x128xf32, #tpu.memory_space<vmem_shared>>
        tpu.enqueue_indirect_dma source(%arg7 : memref<80x128xf32, #tpu.memory_space<vmem>>) target(%dma_start3A_24 : memref<10000x128xf32, #tpu.memory_space<vmem_shared>>) offsets(%arg6 : memref<80xi32, #tpu.memory_space<vmem>>) semaphore(%run_scoped3A : memref<!tpu.dma_semaphore, #tpu.memory_space<semaphore_mem>>) {add = true}
        %dma_wait3A = arith.constant 0 : i32
        %dma_wait3A_25 = arith.constant 0 : i32
        %dma_wait3A_26 = tpu.memref_slice %arg8[%dma_wait3A, %dma_wait3A_25] : memref<10000x128xf32, #tpu.memory_space<vmem_shared>> -> memref<10000x128xf32, #tpu.memory_space<vmem_shared>>
        tpu.wait_indirect_dma semaphore(%run_scoped3A : memref<!tpu.dma_semaphore, #tpu.memory_space<semaphore_mem>>) src(%arg7 : memref<80x128xf32, #tpu.memory_space<vmem>>) dst(%dma_wait3A_26 : memref<10000x128xf32, #tpu.memory_space<vmem_shared>>)
        tpu.yield
      }) : () -> ()
    }
    %scan3A_8 = arith.constant 125 : i32
    %barrier3A_9 = arith.constant 0 : index
    tpu.barrier barrier_id(%barrier3A_9)
    %eq3A_10 = arith.constant 0 : i32
    %eq3A_11 = arith.cmpi eq, %arg1, %eq3A_10 : i32
    %convert_element_type3A_12 = arith.extui %eq3A_11 : i1 to i32
    %cond3A_13 = arith.constant 0 : i32
    %cond3A_14 = arith.cmpi ne, %convert_element_type3A_12, %cond3A_13 : i32
    scf.if %cond3A_14 {
      "tpu.region"() ({
        %run_scoped3A = tpu.sem_alloc : memref<!tpu.dma_semaphore, #tpu.memory_space<semaphore_mem>>
        %dma_start3A = arith.constant 0 : i32
        %dma_start3A_15 = arith.constant 0 : i32
        %dma_start3A_16 = tpu.memref_slice %arg5[%arg0, %dma_start3A, %dma_start3A_15] : memref<2x10000x128xf32, #tpu.memory_space<hbm>> -> memref<1x10000x128xf32, #tpu.memory_space<hbm>>
        %dma_start3A_17 = tpu.memref_squeeze %dma_start3A_16 : memref<1x10000x128xf32, #tpu.memory_space<hbm>> -> memref<10000x128xf32, #tpu.memory_space<hbm>>
        tpu.enqueue_dma source(%arg8 : memref<10000x128xf32, #tpu.memory_space<vmem_shared>>) target(%dma_start3A_17 : memref<10000x128xf32, #tpu.memory_space<hbm>>) target_semaphore(%run_scoped3A : memref<!tpu.dma_semaphore, #tpu.memory_space<semaphore_mem>>)
        %dma_wait3A = arith.constant 0 : i32
        %dma_wait3A_18 = arith.constant 0 : i32
        %dma_wait3A_19 = tpu.memref_slice %arg5[%arg0, %dma_wait3A, %dma_wait3A_18] : memref<2x10000x128xf32, #tpu.memory_space<hbm>> -> memref<1x10000x128xf32, #tpu.memory_space<hbm>>
        %dma_wait3A_20 = tpu.memref_squeeze %dma_wait3A_19 : memref<1x10000x128xf32, #tpu.memory_space<hbm>> -> memref<10000x128xf32, #tpu.memory_space<hbm>>
        tpu.wait_dma2 semaphore(%run_scoped3A : memref<!tpu.dma_semaphore, #tpu.memory_space<semaphore_mem>>) src(%arg8 : memref<10000x128xf32, #tpu.memory_space<vmem_shared>>) dst(%dma_wait3A_20 : memref<10000x128xf32, #tpu.memory_space<hbm>>)
        tpu.yield
      }) : () -> ()
    } else {
    }
    return
  }
}

#map = affine_map<(d0, d1) -> (0, 0)>
#map1 = affine_map<(d0, d1) -> (0)>
module attributes {stable_mosaic.version = 14 : i64} {
  func.func @_sc_gather_rows(%arg0: i32, %arg1: i32, %arg2: memref<10000x256xf32, #tpu.memory_space<hbm>>, %arg3: memref<10000x256xf32, #tpu.memory_space<hbm>>, %arg4: memref<320000xi32, #tpu.memory_space<hbm>>, %arg5: memref<320000xi32, #tpu.memory_space<hbm>>, %arg6: memref<320000x256xf32, #tpu.memory_space<hbm>>, %arg7: memref<320000x256xf32, #tpu.memory_space<hbm>>, %arg8: memref<80xi32, #tpu.memory_space<vmem>>, %arg9: memref<80xi32, #tpu.memory_space<vmem>>, %arg10: memref<80x256xf32, #tpu.memory_space<vmem>>, %arg11: memref<80x256xf32, #tpu.memory_space<vmem>>) attributes {dimension_semantics = [#tpu.dimension_semantics<core_parallel>, #tpu.dimension_semantics<subcore_parallel>], iteration_bounds = array<i64: 2, 16>, scalar_prefetch = 0 : i64, scratch_operands = 4 : i64, tpu.core_type = #tpu.core_type<sc_vector_subcore>, window_params = [{transform_indices = #map}, {transform_indices = #map}, {transform_indices = #map1}, {transform_indices = #map1}, {transform_indices = #map}, {transform_indices = #map}]} {
    %mul3A = arith.constant 2 : i32
    %mul3A_0 = arith.muli %arg1, %mul3A : i32
    %add3A = arith.addi %mul3A_0, %arg0 : i32
    %mul3A_1 = arith.constant 10000 : i32
    %mul3A_2 = arith.muli %add3A, %mul3A_1 : i32
    %scan3A = arith.constant 0 : i32
    %scan3A_3 = arith.constant 125 : i32
    %scan3A_4 = arith.addi %scan3A, %scan3A_3 : i32
    %scan3A_5 = arith.constant 1 : i32
    scf.for %scan3A_7 = %scan3A to %scan3A_4 step %scan3A_5  : i32 {
      %mul3A_8 = arith.constant 1 : i32
      %mul3A_9 = arith.muli %scan3A_7, %mul3A_8 : i32
      %add3A_10 = arith.constant 0 : i32
      %add3A_11 = arith.addi %add3A_10, %mul3A_9 : i32
      %mul3A_12 = arith.constant 80 : i32
      %mul3A_13 = arith.muli %add3A_11, %mul3A_12 : i32
      %add3A_14 = arith.addi %mul3A_2, %mul3A_13 : i32
      "tpu.region"() ({
        %run_scoped3A = tpu.sem_alloc : memref<!tpu.dma_semaphore, #tpu.memory_space<semaphore_mem>>
        %dma_start3A = tpu.memref_slice %arg4[%add3A_14] : memref<320000xi32, #tpu.memory_space<hbm>> -> memref<80xi32, #tpu.memory_space<hbm>>
        %dma_start3A_15 = tpu.memref_slice %arg4[%add3A_14] : memref<320000xi32, #tpu.memory_space<hbm>> -> memref<80xi32, #tpu.memory_space<hbm>>
        tpu.enqueue_dma source(%dma_start3A_15 : memref<80xi32, #tpu.memory_space<hbm>>) target(%arg8 : memref<80xi32, #tpu.memory_space<vmem>>) target_semaphore(%run_scoped3A : memref<!tpu.dma_semaphore, #tpu.memory_space<semaphore_mem>>)
        %dma_wait3A = tpu.memref_slice %arg4[%add3A_14] : memref<320000xi32, #tpu.memory_space<hbm>> -> memref<80xi32, #tpu.memory_space<hbm>>
        %dma_wait3A_16 = tpu.memref_slice %arg4[%add3A_14] : memref<320000xi32, #tpu.memory_space<hbm>> -> memref<80xi32, #tpu.memory_space<hbm>>
        tpu.wait_dma2 semaphore(%run_scoped3A : memref<!tpu.dma_semaphore, #tpu.memory_space<semaphore_mem>>) src(%dma_wait3A_16 : memref<80xi32, #tpu.memory_space<hbm>>) dst(%arg8 : memref<80xi32, #tpu.memory_space<vmem>>)
        tpu.yield
      }) : () -> ()
      "tpu.region"() ({
        %run_scoped3A = tpu.sem_alloc : memref<!tpu.dma_semaphore, #tpu.memory_space<semaphore_mem>>
        %dma_start3A = tpu.memref_slice %arg5[%add3A_14] : memref<320000xi32, #tpu.memory_space<hbm>> -> memref<80xi32, #tpu.memory_space<hbm>>
        %dma_start3A_15 = tpu.memref_slice %arg5[%add3A_14] : memref<320000xi32, #tpu.memory_space<hbm>> -> memref<80xi32, #tpu.memory_space<hbm>>
        tpu.enqueue_dma source(%dma_start3A_15 : memref<80xi32, #tpu.memory_space<hbm>>) target(%arg9 : memref<80xi32, #tpu.memory_space<vmem>>) target_semaphore(%run_scoped3A : memref<!tpu.dma_semaphore, #tpu.memory_space<semaphore_mem>>)
        %dma_wait3A = tpu.memref_slice %arg5[%add3A_14] : memref<320000xi32, #tpu.memory_space<hbm>> -> memref<80xi32, #tpu.memory_space<hbm>>
        %dma_wait3A_16 = tpu.memref_slice %arg5[%add3A_14] : memref<320000xi32, #tpu.memory_space<hbm>> -> memref<80xi32, #tpu.memory_space<hbm>>
        tpu.wait_dma2 semaphore(%run_scoped3A : memref<!tpu.dma_semaphore, #tpu.memory_space<semaphore_mem>>) src(%dma_wait3A_16 : memref<80xi32, #tpu.memory_space<hbm>>) dst(%arg9 : memref<80xi32, #tpu.memory_space<vmem>>)
        tpu.yield
      }) : () -> ()
      "tpu.region"() ({
        %run_scoped3A = tpu.sem_alloc : memref<!tpu.dma_semaphore, #tpu.memory_space<semaphore_mem>>
        %dma_start3A = arith.constant 0 : i32
        %dma_start3A_15 = arith.constant 0 : i32
        %dma_start3A_16 = tpu.memref_slice %arg2[%dma_start3A, %dma_start3A_15] : memref<10000x256xf32, #tpu.memory_space<hbm>> -> memref<10000x256xf32, #tpu.memory_space<hbm>>
        tpu.enqueue_indirect_dma source(%dma_start3A_16 : memref<10000x256xf32, #tpu.memory_space<hbm>>) target(%arg10 : memref<80x256xf32, #tpu.memory_space<vmem>>) offsets(%arg8 : memref<80xi32, #tpu.memory_space<vmem>>) semaphore(%run_scoped3A : memref<!tpu.dma_semaphore, #tpu.memory_space<semaphore_mem>>)
        %dma_wait3A = arith.constant 0 : i32
        %dma_wait3A_17 = arith.constant 0 : i32
        %dma_wait3A_18 = tpu.memref_slice %arg2[%dma_wait3A, %dma_wait3A_17] : memref<10000x256xf32, #tpu.memory_space<hbm>> -> memref<10000x256xf32, #tpu.memory_space<hbm>>
        tpu.wait_indirect_dma semaphore(%run_scoped3A : memref<!tpu.dma_semaphore, #tpu.memory_space<semaphore_mem>>) src(%dma_wait3A_18 : memref<10000x256xf32, #tpu.memory_space<hbm>>) dst(%arg10 : memref<80x256xf32, #tpu.memory_space<vmem>>)
        tpu.yield
      }) : () -> ()
      "tpu.region"() ({
        %run_scoped3A = tpu.sem_alloc : memref<!tpu.dma_semaphore, #tpu.memory_space<semaphore_mem>>
        %dma_start3A = arith.constant 0 : i32
        %dma_start3A_15 = arith.constant 0 : i32
        %dma_start3A_16 = tpu.memref_slice %arg3[%dma_start3A, %dma_start3A_15] : memref<10000x256xf32, #tpu.memory_space<hbm>> -> memref<10000x256xf32, #tpu.memory_space<hbm>>
        tpu.enqueue_indirect_dma source(%dma_start3A_16 : memref<10000x256xf32, #tpu.memory_space<hbm>>) target(%arg11 : memref<80x256xf32, #tpu.memory_space<vmem>>) offsets(%arg9 : memref<80xi32, #tpu.memory_space<vmem>>) semaphore(%run_scoped3A : memref<!tpu.dma_semaphore, #tpu.memory_space<semaphore_mem>>)
        %dma_wait3A = arith.constant 0 : i32
        %dma_wait3A_17 = arith.constant 0 : i32
        %dma_wait3A_18 = tpu.memref_slice %arg3[%dma_wait3A, %dma_wait3A_17] : memref<10000x256xf32, #tpu.memory_space<hbm>> -> memref<10000x256xf32, #tpu.memory_space<hbm>>
        tpu.wait_indirect_dma semaphore(%run_scoped3A : memref<!tpu.dma_semaphore, #tpu.memory_space<semaphore_mem>>) src(%dma_wait3A_18 : memref<10000x256xf32, #tpu.memory_space<hbm>>) dst(%arg11 : memref<80x256xf32, #tpu.memory_space<vmem>>)
        tpu.yield
      }) : () -> ()
      "tpu.region"() ({
        %run_scoped3A = tpu.sem_alloc : memref<!tpu.dma_semaphore, #tpu.memory_space<semaphore_mem>>
        %dma_start3A = arith.constant 0 : i32
        %dma_start3A_15 = tpu.memref_slice %arg6[%add3A_14, %dma_start3A] : memref<320000x256xf32, #tpu.memory_space<hbm>> -> memref<80x256xf32, #tpu.memory_space<hbm>>
        %dma_start3A_16 = arith.constant 0 : i32
        %dma_start3A_17 = tpu.memref_slice %arg6[%add3A_14, %dma_start3A_16] : memref<320000x256xf32, #tpu.memory_space<hbm>> -> memref<80x256xf32, #tpu.memory_space<hbm>>
        tpu.enqueue_dma source(%arg10 : memref<80x256xf32, #tpu.memory_space<vmem>>) target(%dma_start3A_17 : memref<80x256xf32, #tpu.memory_space<hbm>>) target_semaphore(%run_scoped3A : memref<!tpu.dma_semaphore, #tpu.memory_space<semaphore_mem>>)
        %dma_wait3A = arith.constant 0 : i32
        %dma_wait3A_18 = tpu.memref_slice %arg6[%add3A_14, %dma_wait3A] : memref<320000x256xf32, #tpu.memory_space<hbm>> -> memref<80x256xf32, #tpu.memory_space<hbm>>
        %dma_wait3A_19 = arith.constant 0 : i32
        %dma_wait3A_20 = tpu.memref_slice %arg6[%add3A_14, %dma_wait3A_19] : memref<320000x256xf32, #tpu.memory_space<hbm>> -> memref<80x256xf32, #tpu.memory_space<hbm>>
        tpu.wait_dma2 semaphore(%run_scoped3A : memref<!tpu.dma_semaphore, #tpu.memory_space<semaphore_mem>>) src(%arg10 : memref<80x256xf32, #tpu.memory_space<vmem>>) dst(%dma_wait3A_20 : memref<80x256xf32, #tpu.memory_space<hbm>>)
        tpu.yield
      }) : () -> ()
      "tpu.region"() ({
        %run_scoped3A = tpu.sem_alloc : memref<!tpu.dma_semaphore, #tpu.memory_space<semaphore_mem>>
        %dma_start3A = arith.constant 0 : i32
        %dma_start3A_15 = tpu.memref_slice %arg7[%add3A_14, %dma_start3A] : memref<320000x256xf32, #tpu.memory_space<hbm>> -> memref<80x256xf32, #tpu.memory_space<hbm>>
        %dma_start3A_16 = arith.constant 0 : i32
        %dma_start3A_17 = tpu.memref_slice %arg7[%add3A_14, %dma_start3A_16] : memref<320000x256xf32, #tpu.memory_space<hbm>> -> memref<80x256xf32, #tpu.memory_space<hbm>>
        tpu.enqueue_dma source(%arg11 : memref<80x256xf32, #tpu.memory_space<vmem>>) target(%dma_start3A_17 : memref<80x256xf32, #tpu.memory_space<hbm>>) target_semaphore(%run_scoped3A : memref<!tpu.dma_semaphore, #tpu.memory_space<semaphore_mem>>)
        %dma_wait3A = arith.constant 0 : i32
        %dma_wait3A_18 = tpu.memref_slice %arg7[%add3A_14, %dma_wait3A] : memref<320000x256xf32, #tpu.memory_space<hbm>> -> memref<80x256xf32, #tpu.memory_space<hbm>>
        %dma_wait3A_19 = arith.constant 0 : i32
        %dma_wait3A_20 = tpu.memref_slice %arg7[%add3A_14, %dma_wait3A_19] : memref<320000x256xf32, #tpu.memory_space<hbm>> -> memref<80x256xf32, #tpu.memory_space<hbm>>
        tpu.wait_dma2 semaphore(%run_scoped3A : memref<!tpu.dma_semaphore, #tpu.memory_space<semaphore_mem>>) src(%arg11 : memref<80x256xf32, #tpu.memory_space<vmem>>) dst(%dma_wait3A_20 : memref<80x256xf32, #tpu.memory_space<hbm>>)
        tpu.yield
      }) : () -> ()
    }
    %scan3A_6 = arith.constant 125 : i32
    return
  }
}

#map = affine_map<(d0, d1) -> (0, 0)>
#map1 = affine_map<(d0, d1) -> (0)>
module attributes {stable_mosaic.version = 14 : i64} {
  func.func @_sc_gather_recip(%arg0: i32, %arg1: i32, %arg2: memref<10000x128xf32, #tpu.memory_space<hbm>>, %arg3: memref<320000xi32, #tpu.memory_space<hbm>>, %arg4: memref<320000x128xf32, #tpu.memory_space<hbm>>, %arg5: memref<80xi32, #tpu.memory_space<vmem>>, %arg6: memref<80x128xf32, #tpu.memory_space<vmem>>) attributes {dimension_semantics = [#tpu.dimension_semantics<core_parallel>, #tpu.dimension_semantics<subcore_parallel>], iteration_bounds = array<i64: 2, 16>, scalar_prefetch = 0 : i64, scratch_operands = 2 : i64, tpu.core_type = #tpu.core_type<sc_vector_subcore>, window_params = [{transform_indices = #map}, {transform_indices = #map1}, {transform_indices = #map}]} {
    %mul3A = arith.constant 2 : i32
    %mul3A_0 = arith.muli %arg1, %mul3A : i32
    %add3A = arith.addi %mul3A_0, %arg0 : i32
    %mul3A_1 = arith.constant 10000 : i32
    %mul3A_2 = arith.muli %add3A, %mul3A_1 : i32
    %scan3A = arith.constant 0 : i32
    %scan3A_3 = arith.constant 125 : i32
    %scan3A_4 = arith.addi %scan3A, %scan3A_3 : i32
    %scan3A_5 = arith.constant 1 : i32
    scf.for %scan3A_7 = %scan3A to %scan3A_4 step %scan3A_5  : i32 {
      %mul3A_8 = arith.constant 1 : i32
      %mul3A_9 = arith.muli %scan3A_7, %mul3A_8 : i32
      %add3A_10 = arith.constant 0 : i32
      %add3A_11 = arith.addi %add3A_10, %mul3A_9 : i32
      %mul3A_12 = arith.constant 80 : i32
      %mul3A_13 = arith.muli %add3A_11, %mul3A_12 : i32
      %add3A_14 = arith.addi %mul3A_2, %mul3A_13 : i32
      "tpu.region"() ({
        %run_scoped3A = tpu.sem_alloc : memref<!tpu.dma_semaphore, #tpu.memory_space<semaphore_mem>>
        %dma_start3A = tpu.memref_slice %arg3[%add3A_14] : memref<320000xi32, #tpu.memory_space<hbm>> -> memref<80xi32, #tpu.memory_space<hbm>>
        %dma_start3A_15 = tpu.memref_slice %arg3[%add3A_14] : memref<320000xi32, #tpu.memory_space<hbm>> -> memref<80xi32, #tpu.memory_space<hbm>>
        tpu.enqueue_dma source(%dma_start3A_15 : memref<80xi32, #tpu.memory_space<hbm>>) target(%arg5 : memref<80xi32, #tpu.memory_space<vmem>>) target_semaphore(%run_scoped3A : memref<!tpu.dma_semaphore, #tpu.memory_space<semaphore_mem>>)
        %dma_wait3A = tpu.memref_slice %arg3[%add3A_14] : memref<320000xi32, #tpu.memory_space<hbm>> -> memref<80xi32, #tpu.memory_space<hbm>>
        %dma_wait3A_16 = tpu.memref_slice %arg3[%add3A_14] : memref<320000xi32, #tpu.memory_space<hbm>> -> memref<80xi32, #tpu.memory_space<hbm>>
        tpu.wait_dma2 semaphore(%run_scoped3A : memref<!tpu.dma_semaphore, #tpu.memory_space<semaphore_mem>>) src(%dma_wait3A_16 : memref<80xi32, #tpu.memory_space<hbm>>) dst(%arg5 : memref<80xi32, #tpu.memory_space<vmem>>)
        tpu.yield
      }) : () -> ()
      "tpu.region"() ({
        %run_scoped3A = tpu.sem_alloc : memref<!tpu.dma_semaphore, #tpu.memory_space<semaphore_mem>>
        %dma_start3A = arith.constant 0 : i32
        %dma_start3A_15 = arith.constant 0 : i32
        %dma_start3A_16 = tpu.memref_slice %arg2[%dma_start3A, %dma_start3A_15] : memref<10000x128xf32, #tpu.memory_space<hbm>> -> memref<10000x128xf32, #tpu.memory_space<hbm>>
        tpu.enqueue_indirect_dma source(%dma_start3A_16 : memref<10000x128xf32, #tpu.memory_space<hbm>>) target(%arg6 : memref<80x128xf32, #tpu.memory_space<vmem>>) offsets(%arg5 : memref<80xi32, #tpu.memory_space<vmem>>) semaphore(%run_scoped3A : memref<!tpu.dma_semaphore, #tpu.memory_space<semaphore_mem>>)
        %dma_wait3A = arith.constant 0 : i32
        %dma_wait3A_17 = arith.constant 0 : i32
        %dma_wait3A_18 = tpu.memref_slice %arg2[%dma_wait3A, %dma_wait3A_17] : memref<10000x128xf32, #tpu.memory_space<hbm>> -> memref<10000x128xf32, #tpu.memory_space<hbm>>
        tpu.wait_indirect_dma semaphore(%run_scoped3A : memref<!tpu.dma_semaphore, #tpu.memory_space<semaphore_mem>>) src(%dma_wait3A_18 : memref<10000x128xf32, #tpu.memory_space<hbm>>) dst(%arg6 : memref<80x128xf32, #tpu.memory_space<vmem>>)
        tpu.yield
      }) : () -> ()
      "tpu.region"() ({
        %run_scoped3A = tpu.sem_alloc : memref<!tpu.dma_semaphore, #tpu.memory_space<semaphore_mem>>
        %dma_start3A = arith.constant 0 : i32
        %dma_start3A_15 = tpu.memref_slice %arg4[%add3A_14, %dma_start3A] : memref<320000x128xf32, #tpu.memory_space<hbm>> -> memref<80x128xf32, #tpu.memory_space<hbm>>
        %dma_start3A_16 = arith.constant 0 : i32
        %dma_start3A_17 = tpu.memref_slice %arg4[%add3A_14, %dma_start3A_16] : memref<320000x128xf32, #tpu.memory_space<hbm>> -> memref<80x128xf32, #tpu.memory_space<hbm>>
        tpu.enqueue_dma source(%arg6 : memref<80x128xf32, #tpu.memory_space<vmem>>) target(%dma_start3A_17 : memref<80x128xf32, #tpu.memory_space<hbm>>) target_semaphore(%run_scoped3A : memref<!tpu.dma_semaphore, #tpu.memory_space<semaphore_mem>>)
        %dma_wait3A = arith.constant 0 : i32
        %dma_wait3A_18 = tpu.memref_slice %arg4[%add3A_14, %dma_wait3A] : memref<320000x128xf32, #tpu.memory_space<hbm>> -> memref<80x128xf32, #tpu.memory_space<hbm>>
        %dma_wait3A_19 = arith.constant 0 : i32
        %dma_wait3A_20 = tpu.memref_slice %arg4[%add3A_14, %dma_wait3A_19] : memref<320000x128xf32, #tpu.memory_space<hbm>> -> memref<80x128xf32, #tpu.memory_space<hbm>>
        tpu.wait_dma2 semaphore(%run_scoped3A : memref<!tpu.dma_semaphore, #tpu.memory_space<semaphore_mem>>) src(%arg6 : memref<80x128xf32, #tpu.memory_space<vmem>>) dst(%dma_wait3A_20 : memref<80x128xf32, #tpu.memory_space<hbm>>)
        tpu.yield
      }) : () -> ()
    }
    %scan3A_6 = arith.constant 125 : i32
    return
  }
}

#map = affine_map<(d0, d1) -> (0, 0)>
#map1 = affine_map<(d0, d1) -> (0)>
#map2 = affine_map<(d0, d1) -> (0, 0, 0)>
module attributes {stable_mosaic.version = 14 : i64} {
  func.func @_sc_scatter_out(%arg0: i32, %arg1: i32, %arg2: memref<320000x128xf32, #tpu.memory_space<hbm>>, %arg3: memref<320000x128xf32, #tpu.memory_space<hbm>>, %arg4: memref<320000xi32, #tpu.memory_space<hbm>>, %arg5: memref<10000x128xf32, #tpu.memory_space<hbm>>, %arg6: memref<2x10000x128xf32, #tpu.memory_space<hbm>>, %arg7: memref<80xi32, #tpu.memory_space<vmem>>, %arg8: memref<80x128xf32, #tpu.memory_space<vmem>>, %arg9: memref<10000x128xf32, #tpu.memory_space<vmem_shared>>) attributes {dimension_semantics = [#tpu.dimension_semantics<core_parallel>, #tpu.dimension_semantics<subcore_parallel>], iteration_bounds = array<i64: 2, 16>, scalar_prefetch = 0 : i64, scratch_operands = 3 : i64, tpu.core_type = #tpu.core_type<sc_vector_subcore>, window_params = [{transform_indices = #map}, {transform_indices = #map}, {transform_indices = #map1}, {transform_indices = #map}, {transform_indices = #map2}]} {
    %mul3A = arith.constant 20000 : i32
    %mul3A_0 = arith.muli %arg1, %mul3A : i32
    %eq3A = arith.constant 0 : i32
    %eq3A_1 = arith.cmpi eq, %arg1, %eq3A : i32
    %convert_element_type3A = arith.extui %eq3A_1 : i1 to i32
    %cond3A = arith.constant 0 : i32
    %cond3A_2 = arith.cmpi ne, %convert_element_type3A, %cond3A : i32
    scf.if %cond3A_2 {
      "tpu.region"() ({
        %run_scoped3A = tpu.sem_alloc : memref<!tpu.dma_semaphore, #tpu.memory_space<semaphore_mem>>
        tpu.enqueue_dma source(%arg5 : memref<10000x128xf32, #tpu.memory_space<hbm>>) target(%arg9 : memref<10000x128xf32, #tpu.memory_space<vmem_shared>>) target_semaphore(%run_scoped3A : memref<!tpu.dma_semaphore, #tpu.memory_space<semaphore_mem>>)
        tpu.wait_dma2 semaphore(%run_scoped3A : memref<!tpu.dma_semaphore, #tpu.memory_space<semaphore_mem>>) src(%arg5 : memref<10000x128xf32, #tpu.memory_space<hbm>>) dst(%arg9 : memref<10000x128xf32, #tpu.memory_space<vmem_shared>>)
        tpu.yield
      }) : () -> ()
    } else {
    }
    %barrier3A = arith.constant 0 : index
    tpu.barrier barrier_id(%barrier3A)
    %eq3A_3 = arith.constant 0 : i32
    %eq3A_4 = arith.cmpi eq, %arg0, %eq3A_3 : i32
    %convert_element_type3A_5 = arith.extui %eq3A_4 : i1 to i32
    %cond3A_6 = arith.constant 0 : i32
    %cond3A_7 = arith.cmpi ne, %convert_element_type3A_5, %cond3A_6 : i32
    scf.if %cond3A_7 {
      %scan3A = arith.constant 0 : i32
      %scan3A_19 = arith.constant 250 : i32
      %scan3A_20 = arith.addi %scan3A, %scan3A_19 : i32
      %scan3A_21 = arith.constant 1 : i32
      scf.for %scan3A_23 = %scan3A to %scan3A_20 step %scan3A_21  : i32 {
        %mul3A_24 = arith.constant 1 : i32
        %mul3A_25 = arith.muli %scan3A_23, %mul3A_24 : i32
        %add3A = arith.constant 0 : i32
        %add3A_26 = arith.addi %add3A, %mul3A_25 : i32
        %mul3A_27 = arith.constant 80 : i32
        %mul3A_28 = arith.muli %add3A_26, %mul3A_27 : i32
        %add3A_29 = arith.addi %mul3A_0, %mul3A_28 : i32
        "tpu.region"() ({
          %run_scoped3A = tpu.sem_alloc : memref<!tpu.dma_semaphore, #tpu.memory_space<semaphore_mem>>
          %dma_start3A = tpu.memref_slice %arg4[%add3A_29] : memref<320000xi32, #tpu.memory_space<hbm>> -> memref<80xi32, #tpu.memory_space<hbm>>
          %dma_start3A_30 = tpu.memref_slice %arg4[%add3A_29] : memref<320000xi32, #tpu.memory_space<hbm>> -> memref<80xi32, #tpu.memory_space<hbm>>
          tpu.enqueue_dma source(%dma_start3A_30 : memref<80xi32, #tpu.memory_space<hbm>>) target(%arg7 : memref<80xi32, #tpu.memory_space<vmem>>) target_semaphore(%run_scoped3A : memref<!tpu.dma_semaphore, #tpu.memory_space<semaphore_mem>>)
          %dma_wait3A = tpu.memref_slice %arg4[%add3A_29] : memref<320000xi32, #tpu.memory_space<hbm>> -> memref<80xi32, #tpu.memory_space<hbm>>
          %dma_wait3A_31 = tpu.memref_slice %arg4[%add3A_29] : memref<320000xi32, #tpu.memory_space<hbm>> -> memref<80xi32, #tpu.memory_space<hbm>>
          tpu.wait_dma2 semaphore(%run_scoped3A : memref<!tpu.dma_semaphore, #tpu.memory_space<semaphore_mem>>) src(%dma_wait3A_31 : memref<80xi32, #tpu.memory_space<hbm>>) dst(%arg7 : memref<80xi32, #tpu.memory_space<vmem>>)
          tpu.yield
        }) : () -> ()
        "tpu.region"() ({
          %run_scoped3A = tpu.sem_alloc : memref<!tpu.dma_semaphore, #tpu.memory_space<semaphore_mem>>
          %dma_start3A = arith.constant 0 : i32
          %dma_start3A_30 = tpu.memref_slice %arg2[%add3A_29, %dma_start3A] : memref<320000x128xf32, #tpu.memory_space<hbm>> -> memref<80x128xf32, #tpu.memory_space<hbm>>
          %dma_start3A_31 = arith.constant 0 : i32
          %dma_start3A_32 = tpu.memref_slice %arg2[%add3A_29, %dma_start3A_31] : memref<320000x128xf32, #tpu.memory_space<hbm>> -> memref<80x128xf32, #tpu.memory_space<hbm>>
          tpu.enqueue_dma source(%dma_start3A_32 : memref<80x128xf32, #tpu.memory_space<hbm>>) target(%arg8 : memref<80x128xf32, #tpu.memory_space<vmem>>) target_semaphore(%run_scoped3A : memref<!tpu.dma_semaphore, #tpu.memory_space<semaphore_mem>>)
          %dma_wait3A = arith.constant 0 : i32
          %dma_wait3A_33 = tpu.memref_slice %arg2[%add3A_29, %dma_wait3A] : memref<320000x128xf32, #tpu.memory_space<hbm>> -> memref<80x128xf32, #tpu.memory_space<hbm>>
          %dma_wait3A_34 = arith.constant 0 : i32
          %dma_wait3A_35 = tpu.memref_slice %arg2[%add3A_29, %dma_wait3A_34] : memref<320000x128xf32, #tpu.memory_space<hbm>> -> memref<80x128xf32, #tpu.memory_space<hbm>>
          tpu.wait_dma2 semaphore(%run_scoped3A : memref<!tpu.dma_semaphore, #tpu.memory_space<semaphore_mem>>) src(%dma_wait3A_35 : memref<80x128xf32, #tpu.memory_space<hbm>>) dst(%arg8 : memref<80x128xf32, #tpu.memory_space<vmem>>)
          tpu.yield
        }) : () -> ()
        "tpu.region"() ({
          %run_scoped3A = tpu.sem_alloc : memref<!tpu.dma_semaphore, #tpu.memory_space<semaphore_mem>>
          %dma_start3A = arith.constant 0 : i32
          %dma_start3A_30 = arith.constant 0 : i32
          %dma_start3A_31 = tpu.memref_slice %arg9[%dma_start3A, %dma_start3A_30] : memref<10000x128xf32, #tpu.memory_space<vmem_shared>> -> memref<10000x128xf32, #tpu.memory_space<vmem_shared>>
          tpu.enqueue_indirect_dma source(%arg8 : memref<80x128xf32, #tpu.memory_space<vmem>>) target(%dma_start3A_31 : memref<10000x128xf32, #tpu.memory_space<vmem_shared>>) offsets(%arg7 : memref<80xi32, #tpu.memory_space<vmem>>) semaphore(%run_scoped3A : memref<!tpu.dma_semaphore, #tpu.memory_space<semaphore_mem>>) {add = true}
          %dma_wait3A = arith.constant 0 : i32
          %dma_wait3A_32 = arith.constant 0 : i32
          %dma_wait3A_33 = tpu.memref_slice %arg9[%dma_wait3A, %dma_wait3A_32] : memref<10000x128xf32, #tpu.memory_space<vmem_shared>> -> memref<10000x128xf32, #tpu.memory_space<vmem_shared>>
          tpu.wait_indirect_dma semaphore(%run_scoped3A : memref<!tpu.dma_semaphore, #tpu.memory_space<semaphore_mem>>) src(%arg8 : memref<80x128xf32, #tpu.memory_space<vmem>>) dst(%dma_wait3A_33 : memref<10000x128xf32, #tpu.memory_space<vmem_shared>>)
          tpu.yield
        }) : () -> ()
      }
      %scan3A_22 = arith.constant 250 : i32
    } else {
    }
    %eq3A_8 = arith.constant 1 : i32
    %eq3A_9 = arith.cmpi eq, %arg0, %eq3A_8 : i32
    %convert_element_type3A_10 = arith.extui %eq3A_9 : i1 to i32
    %cond3A_11 = arith.constant 0 : i32
    %cond3A_12 = arith.cmpi ne, %convert_element_type3A_10, %cond3A_11 : i32
    scf.if %cond3A_12 {
      %scan3A = arith.constant 0 : i32
      %scan3A_19 = arith.constant 250 : i32
      %scan3A_20 = arith.addi %scan3A, %scan3A_19 : i32
      %scan3A_21 = arith.constant 1 : i32
      scf.for %scan3A_23 = %scan3A to %scan3A_20 step %scan3A_21  : i32 {
        %mul3A_24 = arith.constant 1 : i32
        %mul3A_25 = arith.muli %scan3A_23, %mul3A_24 : i32
        %add3A = arith.constant 0 : i32
        %add3A_26 = arith.addi %add3A, %mul3A_25 : i32
        %mul3A_27 = arith.constant 80 : i32
        %mul3A_28 = arith.muli %add3A_26, %mul3A_27 : i32
        %add3A_29 = arith.addi %mul3A_0, %mul3A_28 : i32
        "tpu.region"() ({
          %run_scoped3A = tpu.sem_alloc : memref<!tpu.dma_semaphore, #tpu.memory_space<semaphore_mem>>
          %dma_start3A = tpu.memref_slice %arg4[%add3A_29] : memref<320000xi32, #tpu.memory_space<hbm>> -> memref<80xi32, #tpu.memory_space<hbm>>
          %dma_start3A_30 = tpu.memref_slice %arg4[%add3A_29] : memref<320000xi32, #tpu.memory_space<hbm>> -> memref<80xi32, #tpu.memory_space<hbm>>
          tpu.enqueue_dma source(%dma_start3A_30 : memref<80xi32, #tpu.memory_space<hbm>>) target(%arg7 : memref<80xi32, #tpu.memory_space<vmem>>) target_semaphore(%run_scoped3A : memref<!tpu.dma_semaphore, #tpu.memory_space<semaphore_mem>>)
          %dma_wait3A = tpu.memref_slice %arg4[%add3A_29] : memref<320000xi32, #tpu.memory_space<hbm>> -> memref<80xi32, #tpu.memory_space<hbm>>
          %dma_wait3A_31 = tpu.memref_slice %arg4[%add3A_29] : memref<320000xi32, #tpu.memory_space<hbm>> -> memref<80xi32, #tpu.memory_space<hbm>>
          tpu.wait_dma2 semaphore(%run_scoped3A : memref<!tpu.dma_semaphore, #tpu.memory_space<semaphore_mem>>) src(%dma_wait3A_31 : memref<80xi32, #tpu.memory_space<hbm>>) dst(%arg7 : memref<80xi32, #tpu.memory_space<vmem>>)
          tpu.yield
        }) : () -> ()
        "tpu.region"() ({
          %run_scoped3A = tpu.sem_alloc : memref<!tpu.dma_semaphore, #tpu.memory_space<semaphore_mem>>
          %dma_start3A = arith.constant 0 : i32
          %dma_start3A_30 = tpu.memref_slice %arg3[%add3A_29, %dma_start3A] : memref<320000x128xf32, #tpu.memory_space<hbm>> -> memref<80x128xf32, #tpu.memory_space<hbm>>
          %dma_start3A_31 = arith.constant 0 : i32
          %dma_start3A_32 = tpu.memref_slice %arg3[%add3A_29, %dma_start3A_31] : memref<320000x128xf32, #tpu.memory_space<hbm>> -> memref<80x128xf32, #tpu.memory_space<hbm>>
          tpu.enqueue_dma source(%dma_start3A_32 : memref<80x128xf32, #tpu.memory_space<hbm>>) target(%arg8 : memref<80x128xf32, #tpu.memory_space<vmem>>) target_semaphore(%run_scoped3A : memref<!tpu.dma_semaphore, #tpu.memory_space<semaphore_mem>>)
          %dma_wait3A = arith.constant 0 : i32
          %dma_wait3A_33 = tpu.memref_slice %arg3[%add3A_29, %dma_wait3A] : memref<320000x128xf32, #tpu.memory_space<hbm>> -> memref<80x128xf32, #tpu.memory_space<hbm>>
          %dma_wait3A_34 = arith.constant 0 : i32
          %dma_wait3A_35 = tpu.memref_slice %arg3[%add3A_29, %dma_wait3A_34] : memref<320000x128xf32, #tpu.memory_space<hbm>> -> memref<80x128xf32, #tpu.memory_space<hbm>>
          tpu.wait_dma2 semaphore(%run_scoped3A : memref<!tpu.dma_semaphore, #tpu.memory_space<semaphore_mem>>) src(%dma_wait3A_35 : memref<80x128xf32, #tpu.memory_space<hbm>>) dst(%arg8 : memref<80x128xf32, #tpu.memory_space<vmem>>)
          tpu.yield
        }) : () -> ()
        "tpu.region"() ({
          %run_scoped3A = tpu.sem_alloc : memref<!tpu.dma_semaphore, #tpu.memory_space<semaphore_mem>>
          %dma_start3A = arith.constant 0 : i32
          %dma_start3A_30 = arith.constant 0 : i32
          %dma_start3A_31 = tpu.memref_slice %arg9[%dma_start3A, %dma_start3A_30] : memref<10000x128xf32, #tpu.memory_space<vmem_shared>> -> memref<10000x128xf32, #tpu.memory_space<vmem_shared>>
          tpu.enqueue_indirect_dma source(%arg8 : memref<80x128xf32, #tpu.memory_space<vmem>>) target(%dma_start3A_31 : memref<10000x128xf32, #tpu.memory_space<vmem_shared>>) offsets(%arg7 : memref<80xi32, #tpu.memory_space<vmem>>) semaphore(%run_scoped3A : memref<!tpu.dma_semaphore, #tpu.memory_space<semaphore_mem>>) {add = true}
          %dma_wait3A = arith.constant 0 : i32
          %dma_wait3A_32 = arith.constant 0 : i32
          %dma_wait3A_33 = tpu.memref_slice %arg9[%dma_wait3A, %dma_wait3A_32] : memref<10000x128xf32, #tpu.memory_space<vmem_shared>> -> memref<10000x128xf32, #tpu.memory_space<vmem_shared>>
          tpu.wait_indirect_dma semaphore(%run_scoped3A : memref<!tpu.dma_semaphore, #tpu.memory_space<semaphore_mem>>) src(%arg8 : memref<80x128xf32, #tpu.memory_space<vmem>>) dst(%dma_wait3A_33 : memref<10000x128xf32, #tpu.memory_space<vmem_shared>>)
          tpu.yield
        }) : () -> ()
      }
      %scan3A_22 = arith.constant 250 : i32
    } else {
    }
    %barrier3A_13 = arith.constant 0 : index
    tpu.barrier barrier_id(%barrier3A_13)
    %eq3A_14 = arith.constant 0 : i32
    %eq3A_15 = arith.cmpi eq, %arg1, %eq3A_14 : i32
    %convert_element_type3A_16 = arith.extui %eq3A_15 : i1 to i32
    %cond3A_17 = arith.constant 0 : i32
    %cond3A_18 = arith.cmpi ne, %convert_element_type3A_16, %cond3A_17 : i32
    scf.if %cond3A_18 {
      "tpu.region"() ({
        %run_scoped3A = tpu.sem_alloc : memref<!tpu.dma_semaphore, #tpu.memory_space<semaphore_mem>>
        %dma_start3A = arith.constant 0 : i32
        %dma_start3A_19 = arith.constant 0 : i32
        %dma_start3A_20 = tpu.memref_slice %arg6[%arg0, %dma_start3A, %dma_start3A_19] : memref<2x10000x128xf32, #tpu.memory_space<hbm>> -> memref<1x10000x128xf32, #tpu.memory_space<hbm>>
        %dma_start3A_21 = tpu.memref_squeeze %dma_start3A_20 : memref<1x10000x128xf32, #tpu.memory_space<hbm>> -> memref<10000x128xf32, #tpu.memory_space<hbm>>
        tpu.enqueue_dma source(%arg9 : memref<10000x128xf32, #tpu.memory_space<vmem_shared>>) target(%dma_start3A_21 : memref<10000x128xf32, #tpu.memory_space<hbm>>) target_semaphore(%run_scoped3A : memref<!tpu.dma_semaphore, #tpu.memory_space<semaphore_mem>>)
        %dma_wait3A = arith.constant 0 : i32
        %dma_wait3A_22 = arith.constant 0 : i32
        %dma_wait3A_23 = tpu.memref_slice %arg6[%arg0, %dma_wait3A, %dma_wait3A_22] : memref<2x10000x128xf32, #tpu.memory_space<hbm>> -> memref<1x10000x128xf32, #tpu.memory_space<hbm>>
        %dma_wait3A_24 = tpu.memref_squeeze %dma_wait3A_23 : memref<1x10000x128xf32, #tpu.memory_space<hbm>> -> memref<10000x128xf32, #tpu.memory_space<hbm>>
        tpu.wait_dma2 semaphore(%run_scoped3A : memref<!tpu.dma_semaphore, #tpu.memory_space<semaphore_mem>>) src(%arg9 : memref<10000x128xf32, #tpu.memory_space<vmem_shared>>) dst(%dma_wait3A_24 : memref<10000x128xf32, #tpu.memory_space<hbm>>)
        tpu.yield
      }) : () -> ()
    } else {
    }
    return
  }
}

module attributes {stable_mosaic.version = 14 : i64} {
  func.func @_mm_body(%arg0: i32, %arg1: memref<1000x128xf32, #tpu.memory_space<vmem>>, %arg2: memref<128x256xf32, #tpu.memory_space<vmem>>, %arg3: memref<1x256xf32, #tpu.memory_space<vmem>>, %arg4: memref<128x256xf32, #tpu.memory_space<vmem>>, %arg5: memref<1x256xf32, #tpu.memory_space<vmem>>, %arg6: memref<1000x256xf32, #tpu.memory_space<vmem>>, %arg7: memref<1000x256xf32, #tpu.memory_space<vmem>>) attributes {dimension_semantics = [#tpu.dimension_semantics<arbitrary>], iteration_bounds = array<i64: 10>, scalar_prefetch = 0 : i64, scratch_operands = 0 : i64, tpu.core_type = #tpu.core_type<tc>, window_params = [{transform_indices = @transform_0, window_bounds = array<i64: 1000, 128>}, {pipeline_mode = #tpu.pipeline_mode<synchronous>, transform_indices = @transform_1, window_bounds = array<i64: 128, 256>}, {pipeline_mode = #tpu.pipeline_mode<synchronous>, transform_indices = @transform_2, window_bounds = array<i64: 1, 256>}, {pipeline_mode = #tpu.pipeline_mode<synchronous>, transform_indices = @transform_3, window_bounds = array<i64: 128, 256>}, {pipeline_mode = #tpu.pipeline_mode<synchronous>, transform_indices = @transform_4, window_bounds = array<i64: 1, 256>}, {transform_indices = @transform_5, window_bounds = array<i64: 1000, 256>}, {transform_indices = @transform_6, window_bounds = array<i64: 1000, 256>}]} {
    %get3A = arith.constant 0 : index
    %get3A_0 = arith.constant 0 : index
    %get3A_1 = vector.load %arg1[%get3A, %get3A_0] : memref<1000x128xf32, #tpu.memory_space<vmem>>, vector<1000x128xf32>
    %get3A_2 = arith.constant 0 : index
    %get3A_3 = arith.constant 0 : index
    %get3A_4 = vector.load %arg2[%get3A_2, %get3A_3] : memref<128x256xf32, #tpu.memory_space<vmem>>, vector<128x256xf32>
    %dot_general3A = arith.constant dense<0.000000e+00> : vector<1000x256xf32>
    %dot_general3A_5 = tpu.matmul %get3A_1, %get3A_4, %dot_general3A {dimension_numbers = #tpu.dot_dimension_numbers<[1], [0], [0], [1], [0, 0, 1, 1], [], []>, transpose_lhs_hint = false} : vector<1000x128xf32>, vector<128x256xf32>, vector<1000x256xf32> -> vector<1000x256xf32>
    %get3A_6 = arith.constant 0 : index
    %get3A_7 = arith.constant 0 : index
    %get3A_8 = vector.load %arg3[%get3A_6, %get3A_7] : memref<1x256xf32, #tpu.memory_space<vmem>>, vector<1x256xf32>
    %add3A = vector.broadcast %get3A_8 : vector<1x256xf32> to vector<1000x256xf32>
    %add3A_9 = arith.addf %dot_general3A_5, %add3A : vector<1000x256xf32>
    %swap3A = arith.constant 0 : index
    %swap3A_10 = arith.constant 0 : index
    %swap3A_11 = vector.load %arg6[%swap3A, %swap3A_10] : memref<1000x256xf32, #tpu.memory_space<vmem>>, vector<1000x256xf32>
    tpu.vector_store %arg6[%swap3A, %swap3A_10], %add3A_9 {strides = array<i32>} : memref<1000x256xf32, #tpu.memory_space<vmem>>, vector<1000x256xf32>,
    %get3A_12 = arith.constant 0 : index
    %get3A_13 = arith.constant 0 : index
    %get3A_14 = vector.load %arg4[%get3A_12, %get3A_13] : memref<128x256xf32, #tpu.memory_space<vmem>>, vector<128x256xf32>
    %dot_general3A_15 = arith.constant dense<0.000000e+00> : vector<1000x256xf32>
    %dot_general3A_16 = tpu.matmul %get3A_1, %get3A_14, %dot_general3A_15 {dimension_numbers = #tpu.dot_dimension_numbers<[1], [0], [0], [1], [0, 0, 1, 1], [], []>, transpose_lhs_hint = false} : vector<1000x128xf32>, vector<128x256xf32>, vector<1000x256xf32> -> vector<1000x256xf32>
    %get3A_17 = arith.constant 0 : index
    %get3A_18 = arith.constant 0 : index
    %get3A_19 = vector.load %arg5[%get3A_17, %get3A_18] : memref<1x256xf32, #tpu.memory_space<vmem>>, vector<1x256xf32>
    %add3A_20 = vector.broadcast %get3A_19 : vector<1x256xf32> to vector<1000x256xf32>
    %add3A_21 = arith.addf %dot_general3A_16, %add3A_20 : vector<1000x256xf32>
    %swap3A_22 = arith.constant 0 : index
    %swap3A_23 = arith.constant 0 : index
    %swap3A_24 = vector.load %arg7[%swap3A_22, %swap3A_23] : memref<1000x256xf32, #tpu.memory_space<vmem>>, vector<1000x256xf32>
    tpu.vector_store %arg7[%swap3A_22, %swap3A_23], %add3A_21 {strides = array<i32>} : memref<1000x256xf32, #tpu.memory_space<vmem>>, vector<1000x256xf32>,
    return
  }
  func.func @transform_0(%arg0: i32) -> (i32, i32) {
    %c0_i32 = arith.constant 0 : i32
    %c0_i32_0 = arith.constant 0 : i32
    return %arg0, %c0_i32 : i32, i32
  }
  func.func @transform_1(%arg0: i32) -> (i32, i32) {
    %c0_i32 = arith.constant 0 : i32
    %c0_i32_0 = arith.constant 0 : i32
    %c0_i32_1 = arith.constant 0 : i32
    return %c0_i32, %c0_i32_0 : i32, i32
  }
  func.func @transform_2(%arg0: i32) -> (i32, i32) {
    %c0_i32 = arith.constant 0 : i32
    %c0_i32_0 = arith.constant 0 : i32
    %c0_i32_1 = arith.constant 0 : i32
    return %c0_i32, %c0_i32_0 : i32, i32
  }
  func.func @transform_3(%arg0: i32) -> (i32, i32) {
    %c0_i32 = arith.constant 0 : i32
    %c0_i32_0 = arith.constant 0 : i32
    %c0_i32_1 = arith.constant 0 : i32
    return %c0_i32, %c0_i32_0 : i32, i32
  }
  func.func @transform_4(%arg0: i32) -> (i32, i32) {
    %c0_i32 = arith.constant 0 : i32
    %c0_i32_0 = arith.constant 0 : i32
    %c0_i32_1 = arith.constant 0 : i32
    return %c0_i32, %c0_i32_0 : i32, i32
  }
  func.func @transform_5(%arg0: i32) -> (i32, i32) {
    %c0_i32 = arith.constant 0 : i32
    %c0_i32_0 = arith.constant 0 : i32
    return %arg0, %c0_i32 : i32, i32
  }
  func.func @transform_6(%arg0: i32) -> (i32, i32) {
    %c0_i32 = arith.constant 0 : i32
    %c0_i32_0 = arith.constant 0 : i32
    return %arg0, %c0_i32 : i32, i32
  }
}

module attributes {stable_mosaic.version = 14 : i64} {
  func.func @_ex_body(%arg0: i32, %arg1: memref<1000x256xf32, #tpu.memory_space<vmem>>, %arg2: memref<1000x256xf32, #tpu.memory_space<vmem>>, %arg3: memref<1000x1xf32, #tpu.memory_space<vmem>>, %arg4: memref<1x256xf32, #tpu.memory_space<vmem>>, %arg5: memref<1x256xf32, #tpu.memory_space<vmem>>, %arg6: memref<256x128xf32, #tpu.memory_space<vmem>>, %arg7: memref<1000x128xf32, #tpu.memory_space<vmem>>) attributes {dimension_semantics = [#tpu.dimension_semantics<arbitrary>], iteration_bounds = array<i64: 320>, scalar_prefetch = 0 : i64, scratch_operands = 0 : i64, tpu.core_type = #tpu.core_type<tc>, window_params = [{transform_indices = @transform_0, window_bounds = array<i64: 1000, 256>}, {transform_indices = @transform_1, window_bounds = array<i64: 1000, 256>}, {transform_indices = @transform_2, window_bounds = array<i64: 1000, 1>}, {pipeline_mode = #tpu.pipeline_mode<synchronous>, transform_indices = @transform_3, window_bounds = array<i64: 1, 256>}, {pipeline_mode = #tpu.pipeline_mode<synchronous>, transform_indices = @transform_4, window_bounds = array<i64: 1, 256>}, {pipeline_mode = #tpu.pipeline_mode<synchronous>, transform_indices = @transform_5, window_bounds = array<i64: 256, 128>}, {transform_indices = @transform_6, window_bounds = array<i64: 1000, 128>}]} {
    %get3A = arith.constant 0 : index
    %get3A_0 = arith.constant 0 : index
    %get3A_1 = vector.load %arg1[%get3A, %get3A_0] : memref<1000x256xf32, #tpu.memory_space<vmem>>, vector<1000x256xf32>
    %get3A_2 = arith.constant 0 : index
    %get3A_3 = arith.constant 0 : index
    %get3A_4 = vector.load %arg2[%get3A_2, %get3A_3] : memref<1000x256xf32, #tpu.memory_space<vmem>>, vector<1000x256xf32>
    %add3A = arith.addf %get3A_1, %get3A_4 : vector<1000x256xf32>
    %get3A_5 = arith.constant 0 : index
    %get3A_6 = arith.constant 0 : index
    %get3A_7 = vector.load %arg3[%get3A_5, %get3A_6] : memref<1000x1xf32, #tpu.memory_space<vmem>>, vector<1000x1xf32>
    %get3A_8 = arith.constant 0 : index
    %get3A_9 = arith.constant 0 : index
    %get3A_10 = vector.load %arg4[%get3A_8, %get3A_9] : memref<1x256xf32, #tpu.memory_space<vmem>>, vector<1x256xf32>
    %mul3A = vector.broadcast %get3A_7 : vector<1000x1xf32> to vector<1000x256xf32>
    %mul3A_11 = vector.broadcast %get3A_10 : vector<1x256xf32> to vector<1000x256xf32>
    %mul3A_12 = arith.mulf %mul3A, %mul3A_11 : vector<1000x256xf32>
    %add3A_13 = arith.addf %add3A, %mul3A_12 : vector<1000x256xf32>
    %get3A_14 = arith.constant 0 : index
    %get3A_15 = arith.constant 0 : index
    %get3A_16 = vector.load %arg5[%get3A_14, %get3A_15] : memref<1x256xf32, #tpu.memory_space<vmem>>, vector<1x256xf32>
    %add3A_17 = vector.broadcast %get3A_16 : vector<1x256xf32> to vector<1000x256xf32>
    %add3A_18 = arith.addf %add3A_13, %add3A_17 : vector<1000x256xf32>
    %gt3A = arith.constant 0.000000e+00 : f32
    %gt3A_19 = vector.broadcast %gt3A : f32 to vector<1000x256xf32>
    %gt3A_20 = arith.cmpf ogt, %add3A_18, %gt3A_19 : vector<1000x256xf32>
    %mul3A_21 = arith.constant 2.000000e-01 : f32
    %mul3A_22 = vector.broadcast %mul3A_21 : f32 to vector<1000x256xf32>
    %mul3A_23 = arith.mulf %mul3A_22, %add3A_18 : vector<1000x256xf32>
    %select_n3A = arith.select %gt3A_20, %add3A_18, %mul3A_23 : vector<1000x256xi1>, vector<1000x256xf32>
    %get3A_24 = arith.constant 0 : index
    %get3A_25 = arith.constant 0 : index
    %get3A_26 = vector.load %arg6[%get3A_24, %get3A_25] : memref<256x128xf32, #tpu.memory_space<vmem>>, vector<256x128xf32>
    %dot_general3A = arith.constant dense<0.000000e+00> : vector<1000x128xf32>
    %dot_general3A_27 = tpu.matmul %select_n3A, %get3A_26, %dot_general3A {dimension_numbers = #tpu.dot_dimension_numbers<[1], [0], [0], [1], [0, 0, 1, 1], [], []>, transpose_lhs_hint = false} : vector<1000x256xf32>, vector<256x128xf32>, vector<1000x128xf32> -> vector<1000x128xf32>
    %exp3A = math.exp %dot_general3A_27 : vector<1000x128xf32>
    %swap3A = arith.constant 0 : index
    %swap3A_28 = arith.constant 0 : index
    %swap3A_29 = vector.load %arg7[%swap3A, %swap3A_28] : memref<1000x128xf32, #tpu.memory_space<vmem>>, vector<1000x128xf32>
    tpu.vector_store %arg7[%swap3A, %swap3A_28], %exp3A {strides = array<i32>} : memref<1000x128xf32, #tpu.memory_space<vmem>>, vector<1000x128xf32>,
    return
  }
  func.func @transform_0(%arg0: i32) -> (i32, i32) {
    %c0_i32 = arith.constant 0 : i32
    %c0_i32_0 = arith.constant 0 : i32
    return %arg0, %c0_i32 : i32, i32
  }
  func.func @transform_1(%arg0: i32) -> (i32, i32) {
    %c0_i32 = arith.constant 0 : i32
    %c0_i32_0 = arith.constant 0 : i32
    return %arg0, %c0_i32 : i32, i32
  }
  func.func @transform_2(%arg0: i32) -> (i32, i32) {
    %c0_i32 = arith.constant 0 : i32
    %c0_i32_0 = arith.constant 0 : i32
    return %arg0, %c0_i32 : i32, i32
  }
  func.func @transform_3(%arg0: i32) -> (i32, i32) {
    %c0_i32 = arith.constant 0 : i32
    %c0_i32_0 = arith.constant 0 : i32
    %c0_i32_1 = arith.constant 0 : i32
    return %c0_i32, %c0_i32_0 : i32, i32
  }
  func.func @transform_4(%arg0: i32) -> (i32, i32) {
    %c0_i32 = arith.constant 0 : i32
    %c0_i32_0 = arith.constant 0 : i32
    %c0_i32_1 = arith.constant 0 : i32
    return %c0_i32, %c0_i32_0 : i32, i32
  }
  func.func @transform_5(%arg0: i32) -> (i32, i32) {
    %c0_i32 = arith.constant 0 : i32
    %c0_i32_0 = arith.constant 0 : i32
    %c0_i32_1 = arith.constant 0 : i32
    return %c0_i32, %c0_i32_0 : i32, i32
  }
  func.func @transform_6(%arg0: i32) -> (i32, i32) {
    %c0_i32 = arith.constant 0 : i32
    %c0_i32_0 = arith.constant 0 : i32
    return %arg0, %c0_i32 : i32, i32
  }
}

module attributes {stable_mosaic.version = 14 : i64} {
  func.func @_recip_body(%arg0: i32, %arg1: memref<1000x128xf32, #tpu.memory_space<vmem>>, %arg2: memref<1000x128xf32, #tpu.memory_space<vmem>>, %arg3: memref<1000x128xf32, #tpu.memory_space<vmem>>) attributes {dimension_semantics = [#tpu.dimension_semantics<arbitrary>], iteration_bounds = array<i64: 10>, scalar_prefetch = 0 : i64, scratch_operands = 0 : i64, tpu.core_type = #tpu.core_type<tc>, window_params = [{transform_indices = @transform_0, window_bounds = array<i64: 1000, 128>}, {transform_indices = @transform_1, window_bounds = array<i64: 1000, 128>}, {transform_indices = @transform_2, window_bounds = array<i64: 1000, 128>}]} {
    %get3A = arith.constant 0 : index
    %get3A_0 = arith.constant 0 : index
    %get3A_1 = vector.load %arg1[%get3A, %get3A_0] : memref<1000x128xf32, #tpu.memory_space<vmem>>, vector<1000x128xf32>
    %get3A_2 = arith.constant 0 : index
    %get3A_3 = arith.constant 0 : index
    %get3A_4 = vector.load %arg2[%get3A_2, %get3A_3] : memref<1000x128xf32, #tpu.memory_space<vmem>>, vector<1000x128xf32>
    %add3A = arith.addf %get3A_1, %get3A_4 : vector<1000x128xf32>
    %add3A_5 = arith.constant 1.000000e-16 : f32
    %add3A_6 = vector.broadcast %add3A_5 : f32 to vector<1000x128xf32>
    %add3A_7 = arith.addf %add3A, %add3A_6 : vector<1000x128xf32>
    %div3A = arith.constant 1.000000e+00 : f32
    %div3A_8 = vector.broadcast %div3A : f32 to vector<1000x128xf32>
    %div3A_9 = arith.divf %div3A_8, %add3A_7 : vector<1000x128xf32>
    %swap3A = arith.constant 0 : index
    %swap3A_10 = arith.constant 0 : index
    %swap3A_11 = vector.load %arg3[%swap3A, %swap3A_10] : memref<1000x128xf32, #tpu.memory_space<vmem>>, vector<1000x128xf32>
    tpu.vector_store %arg3[%swap3A, %swap3A_10], %div3A_9 {strides = array<i32>} : memref<1000x128xf32, #tpu.memory_space<vmem>>, vector<1000x128xf32>,
    return
  }
  func.func @transform_0(%arg0: i32) -> (i32, i32) {
    %c0_i32 = arith.constant 0 : i32
    %c0_i32_0 = arith.constant 0 : i32
    return %arg0, %c0_i32 : i32, i32
  }
  func.func @transform_1(%arg0: i32) -> (i32, i32) {
    %c0_i32 = arith.constant 0 : i32
    %c0_i32_0 = arith.constant 0 : i32
    return %arg0, %c0_i32 : i32, i32
  }
  func.func @transform_2(%arg0: i32) -> (i32, i32) {
    %c0_i32 = arith.constant 0 : i32
    %c0_i32_0 = arith.constant 0 : i32
    return %arg0, %c0_i32 : i32, i32
  }
}

module attributes {stable_mosaic.version = 14 : i64} {
  func.func @_msgs_body(%arg0: i32, %arg1: memref<1000x128xf32, #tpu.memory_space<vmem>>, %arg2: memref<1000x128xf32, #tpu.memory_space<vmem>>, %arg3: memref<1000x256xf32, #tpu.memory_space<vmem>>, %arg4: memref<16x256xf32, #tpu.memory_space<vmem>>, %arg5: memref<1000x128xf32, #tpu.memory_space<vmem>>, %arg6: memref<1000x128xf32, #tpu.memory_space<vmem>>) attributes {dimension_semantics = [#tpu.dimension_semantics<arbitrary>], iteration_bounds = array<i64: 320>, scalar_prefetch = 0 : i64, scratch_operands = 0 : i64, tpu.core_type = #tpu.core_type<tc>, window_params = [{transform_indices = @transform_0, window_bounds = array<i64: 1000, 128>}, {transform_indices = @transform_1, window_bounds = array<i64: 1000, 128>}, {transform_indices = @transform_2, window_bounds = array<i64: 1000, 256>}, {pipeline_mode = #tpu.pipeline_mode<synchronous>, transform_indices = @transform_3, window_bounds = array<i64: 16, 256>}, {transform_indices = @transform_4, window_bounds = array<i64: 1000, 128>}, {transform_indices = @transform_5, window_bounds = array<i64: 1000, 128>}]} {
    %get3A = arith.constant 0 : index
    %get3A_0 = arith.constant 0 : index
    %get3A_1 = vector.load %arg1[%get3A, %get3A_0] : memref<1000x128xf32, #tpu.memory_space<vmem>>, vector<1000x16xf32>
    %get3A_2 = arith.constant 0 : index
    %get3A_3 = arith.constant 0 : index
    %get3A_4 = vector.load %arg2[%get3A_2, %get3A_3] : memref<1000x128xf32, #tpu.memory_space<vmem>>, vector<1000x16xf32>
    %mul3A = arith.mulf %get3A_1, %get3A_4 : vector<1000x16xf32>
    %get3A_5 = arith.constant 0 : index
    %get3A_6 = arith.constant 0 : index
    %get3A_7 = vector.load %arg4[%get3A_5, %get3A_6] : memref<16x256xf32, #tpu.memory_space<vmem>>, vector<16x256xf32>
    %dot_general3A = arith.constant dense<0.000000e+00> : vector<1000x256xf32>
    %dot_general3A_8 = tpu.matmul %mul3A, %get3A_7, %dot_general3A {dimension_numbers = #tpu.dot_dimension_numbers<[1], [0], [0], [1], [0, 0, 1, 1], [], []>, transpose_lhs_hint = false} : vector<1000x16xf32>, vector<16x256xf32>, vector<1000x256xf32> -> vector<1000x256xf32>
    %get3A_9 = arith.constant 0 : index
    %get3A_10 = arith.constant 0 : index
    %get3A_11 = vector.load %arg3[%get3A_9, %get3A_10] : memref<1000x256xf32, #tpu.memory_space<vmem>>, vector<1000x256xf32>
    %mul3A_12 = arith.mulf %dot_general3A_8, %get3A_11 : vector<1000x256xf32>
    %slice3A = vector.extract_strided_slice %mul3A_12 {offsets = [0, 0], sizes = [1000, 128], strides = [1, 1]} : vector<1000x256xf32> to vector<1000x128xf32>
    %swap3A = arith.constant 0 : index
    %swap3A_13 = arith.constant 0 : index
    %swap3A_14 = vector.load %arg5[%swap3A, %swap3A_13] : memref<1000x128xf32, #tpu.memory_space<vmem>>, vector<1000x128xf32>
    tpu.vector_store %arg5[%swap3A, %swap3A_13], %slice3A {strides = array<i32>} : memref<1000x128xf32, #tpu.memory_space<vmem>>, vector<1000x128xf32>,
    %slice3A_15 = vector.extract_strided_slice %mul3A_12 {offsets = [0, 128], sizes = [1000, 128], strides = [1, 1]} : vector<1000x256xf32> to vector<1000x128xf32>
    %swap3A_16 = arith.constant 0 : index
    %swap3A_17 = arith.constant 0 : index
    %swap3A_18 = vector.load %arg6[%swap3A_16, %swap3A_17] : memref<1000x128xf32, #tpu.memory_space<vmem>>, vector<1000x128xf32>
    tpu.vector_store %arg6[%swap3A_16, %swap3A_17], %slice3A_15 {strides = array<i32>} : memref<1000x128xf32, #tpu.memory_space<vmem>>, vector<1000x128xf32>,
    return
  }
  func.func @transform_0(%arg0: i32) -> (i32, i32) {
    %c0_i32 = arith.constant 0 : i32
    %c0_i32_0 = arith.constant 0 : i32
    return %arg0, %c0_i32 : i32, i32
  }
  func.func @transform_1(%arg0: i32) -> (i32, i32) {
    %c0_i32 = arith.constant 0 : i32
    %c0_i32_0 = arith.constant 0 : i32
    return %arg0, %c0_i32 : i32, i32
  }
  func.func @transform_2(%arg0: i32) -> (i32, i32) {
    %c0_i32 = arith.constant 0 : i32
    %c0_i32_0 = arith.constant 0 : i32
    return %arg0, %c0_i32 : i32, i32
  }
  func.func @transform_3(%arg0: i32) -> (i32, i32) {
    %c0_i32 = arith.constant 0 : i32
    %c0_i32_0 = arith.constant 0 : i32
    %c0_i32_1 = arith.constant 0 : i32
    return %c0_i32, %c0_i32_0 : i32, i32
  }
  func.func @transform_4(%arg0: i32) -> (i32, i32) {
    %c0_i32 = arith.constant 0 : i32
    %c0_i32_0 = arith.constant 0 : i32
    return %arg0, %c0_i32 : i32, i32
  }
  func.func @transform_5(%arg0: i32) -> (i32, i32) {
    %c0_i32 = arith.constant 0 : i32
    %c0_i32_0 = arith.constant 0 : i32
    return %arg0, %c0_i32 : i32, i32
  }
}

</mosaic_0001>

<sc_bundles>
// kernel: kernel.10.cloned.1.call-start
scs
__scs_entry_jumppad:
0x0: {  	(pc) =	sbr.rel $0x88, $3  }
0x1: {  	(tag) =	ssettag $0x0;
	lr =	simm.s32 $0x1  }
0x2: {  	[smem:$0x3F96] =	sst lr;
	_ =	strace $0xD0000000  }
0x3: {  	_ = 	snop  }
0x4: {  	_ = 	snop  }
0x5: {  	_ = 	snop  }
0x6: {  	_ = 	snop  }
0x7: {  	_ = 	snop  }
__scs_overlays_trampoline_lowered:
0x8: {  	[smem:$0x3FA5] =	sst s0  }
0x9: {  	[smem:$0x3FA6] =	sst s1  }
0xa: {  	[smem:$0x3FA7] =	sst s2  }
0xb: {  	[smem:$0x3FA8] =	sst s3  }
0xc: {  	[smem:$0x3FA9] =	sst s4  }
0xd: {  	[smem:$0x3FAA] =	sst s5  }
0xe: {  	[smem:$0x3FAB] =	sst s6  }
0xf: {  	[smem:$0x3FAC] =	sst s7  }
0x10: {  	[smem:$0x3FAD] =	sst s8  }
0x11: {  	[smem:$0x3FAE] =	sst s9;
	s0 =	simm.s32 @!p0 $0x0  }
0x12: {  	s1 =	sld [smem:$0x3F94];
	s0 =	simm.s32 @p0 $0x1  }
0x13: {  	[smem:$0x3FAF] =	sst s0;
	s0 =	simm.s32 @!p1 $0x0  }
0x14: {  	s2 =	sld [smem:$0x3F93];
	s0 =	simm.s32 @p1 $0x1  }
0x15: {  	[smem:$0x3FB0] =	sst s0;
	s0 =	simm.s32 @!p2 $0x0  }
0x16: {  	s3 =	sld [smem:$0x3FDB];
	s0 =	simm.s32 @p2 $0x1  }
0x17: {  	s4 =	simm.s32 $0x1BF5;
	[smem:$0x3FB2] =	sst s0  }
0x18: {  	s0 =	sld [smem:$0x3F95];
	_ =	swait.ge [sflag:s4], $0x0  }
0x19: {  	s7 =	sld [smem:$0x3F96]  }
0x1a: {  	s8 =	sadd.s32 $0xFFFFE003, lr  }
0x1b: {  	s9 =	sadd.s32 $0xFFFFFEF7, lr;
	s5 =	simm.s32 $0xFFFFFFFF;
	p2 =	slt.u32 s8, $0xFFFFF086  }
0x1c: {  	p1 =	slt.u32 s9, $0xF7A;
	s5 =	simm.s32 @!p2 $0x0  }
0x1d: {  	s5 =	simm.s32 @p1 $0x1;
	p0 =	seq.s32 s7, s2  }
0x1e: {  	s7 =	smul.u32 @!p0 $0xF7A, s2;
	p2 =	seq.s32 @!p0 s5, $0x0  }
0x1f: {  	s9 =	smul.u32 $0xF7A, s1;
	s8 =	simm.s32 @!p0 $0x1BF5;
	p2 =	por !p2, p0  }
0x20: {  	[sflag:s8] =	ssyncset.s32 @!p0 $0xFFFFF086;
	s6 =	sadd.s32 @!p0 s3, s7;
	s7 =	simm.s32 @!p0 $0x108  }
0x21: {  	s3 =	sadd.s32 s3, s9;
	s6 =	sadd.s32 @!p0 $0x88, s6;
	s7 =	simm.s32 @p2 $0x1082  }
0x22: {  	[simem:s7], [sflag:s8] =	dma.local @!p0 [hbm:s6], $0xF7A  }
0x23: {  	s9 =	sor.u32 $0xD0000000, s2;
	s6 =	simm.s32 $0x108;
	_ =	swait.ge @!p0 [sflag:s8], $0x0  }
0x24: {  	s3 =	sadd.s32 $0x88, s3;
	s6 =	simm.s32 @!p1 $0x1082;
	[sflag:s4] =	ssyncset.s32 $0xFFFFF086  }
0x25: {  	[simem:s6], [sflag:s4] =	dma.local [hbm:s3], $0xF7A  }
0x26: {  	[smem:$0x3F96] =	sst s1;
	(tag) =	ssettag s2;
	_ =	strace s9  }
0x27: {  	s1 =	sld [smem:$0x3FA6]  }
0x28: {  	s2 =	sld [smem:$0x3FA7]  }
0x29: {  	s4 =	sld [smem:$0x3FA9]  }
0x2a: {  	p0 =	seq.s32 s5, $0x0;
	s5 =	sld [smem:$0x3FAA]  }
0x2b: {  	s6 =	sld [smem:$0x3FAB]  }
0x2c: {  	s7 =	sld [smem:$0x3FAC]  }
0x2d: {  	s3 =	simm.s32 $0x108;
	s8 =	sld [smem:$0x3FAD]  }
0x2e: {  	s3 =	simm.s32 @!p0 $0x1082;
	s9 =	sld [smem:$0x3FAE]  }
0x2f: {  	lr =	sadd.s32 s0, s3;
	s0 =	sld [smem:$0x3FA5]  }
0x30: {  	s3 =	sld [smem:$0x3FA8]  }
0x31: {  	[smem:$0x3FB1] =	sst s10  }
0x32: {  	s10 =	sld [smem:$0x3FAF];
	_ =	sdelay $0x3  }
0x33: {  	p0 =	seq.s32 s10, $0x1;
	s10 =	sld [smem:$0x3FB1];
	_ =	sdelay $0x3  }
0x34: {  	[smem:$0x3FB1] =	sst s10  }
0x35: {  	s10 =	sld [smem:$0x3FB0];
	_ =	sdelay $0x3  }
0x36: {  	p1 =	seq.s32 s10, $0x1;
	s10 =	sld [smem:$0x3FB1];
	_ =	sdelay $0x3  }
0x37: {  	[smem:$0x3FB1] =	sst s10  }
0x38: {  	s10 =	sld [smem:$0x3FB2]  }
0x39: {  	_ = 	snop;
	(pc) =	sbr.ind lr, $3  }
0x3a: {  	_ = 	snop  }
0x3b: {  	_ = 	snop  }
0x3c: {  	p2 =	seq.s32 s10, $0x1;
	s10 =	sld [smem:$0x3FB1]  }
0x3d: {  	_ =	shalt  }
0x3e: {  	_ =	shalt  }
0x3f: {  	_ =	shalt  }
0x40: {  	_ =	shalt  }
0x41: {  	_ =	shalt  }
0x42: {  	_ =	shalt  }
0x43: {  	_ =	shalt  }
0x44: {  	_ =	shalt  }
0x45: {  	_ =	shalt  }
0x46: {  	_ =	shalt  }
0x47: {  	_ =	shalt  }
0x48: {  	_ =	shalt  }
0x49: {  	_ =	shalt  }
0x4a: {  	_ =	shalt  }
0x4b: {  	_ =	shalt  }
0x4c: {  	_ =	shalt  }
0x4d: {  	_ =	shalt  }
0x4e: {  	_ =	shalt  }
0x4f: {  	_ =	shalt  }
0x50: {  	_ =	shalt  }
0x51: {  	_ =	shalt  }
0x52: {  	_ =	shalt  }
0x53: {  	_ =	shalt  }
0x54: {  	_ =	shalt  }
0x55: {  	_ =	shalt  }
0x56: {  	_ =	shalt  }
0x57: {  	_ =	shalt  }
0x58: {  	_ =	shalt  }
0x59: {  	_ =	shalt  }
0x5a: {  	_ =	shalt  }
0x5b: {  	_ =	shalt  }
0x5c: {  	_ =	shalt  }
0x5d: {  	_ =	shalt  }
0x5e: {  	_ =	shalt  }
0x5f: {  	_ =	shalt  }
0x60: {  	_ =	shalt  }
0x61: {  	_ =	shalt  }
0x62: {  	_ =	shalt  }
0x63: {  	_ =	shalt  }
0x64: {  	_ =	shalt  }
0x65: {  	_ =	shalt  }
0x66: {  	_ =	shalt  }
0x67: {  	_ =	shalt  }
0x68: {  	_ =	shalt  }
0x69: {  	_ =	shalt  }
0x6a: {  	_ =	shalt  }
0x6b: {  	_ =	shalt  }
0x6c: {  	_ =	shalt  }
0x6d: {  	_ =	shalt  }
0x6e: {  	_ =	shalt  }
0x6f: {  	_ =	shalt  }
0x70: {  	_ =	shalt  }
0x71: {  	_ =	shalt  }
0x72: {  	_ =	shalt  }
0x73: {  	_ =	shalt  }
0x74: {  	_ =	shalt  }
0x75: {  	_ =	shalt  }
0x76: {  	_ =	shalt  }
0x77: {  	_ =	shalt  }
0x78: {  	_ =	shalt  }
0x79: {  	_ =	shalt  }
0x7a: {  	_ =	shalt  }
0x7b: {  	_ =	shalt  }
0x7c: {  	_ =	shalt  }
0x7d: {  	_ =	shalt  }
0x7e: {  	_ =	shalt  }
0x7f: {  	_ =	shalt  }
0x80: {  	_ =	shalt  }
0x81: {  	_ =	shalt  }
0x82: {  	_ =	shalt  }
0x83: {  	_ =	shalt  }
0x84: {  	_ =	shalt  }
0x85: {  	_ =	shalt  }
0x86: {  	_ =	shalt  }
0x87: {  	_ =	shalt  }
.Lfunc_end0:
.L_simem_size_0:
called_computation_lowered:
.L_overlay_start_0:
0x88: {  	s2 =	sld [smem:$0x3FD9]  }
0x89: {  	s3 =	sld [smem:$0x3FFE];
	_ =	sdelay $0x1  }
0x8a: {  	s1 =	srdreg.scid  }
0x8b: {  	s0 =	sand.u32 $0x1, s1  }
0x8c: {  	s17 =	sshll.u32 s0, $0xA;
	s2 =	sadd.s32 s3, s2  }
0x8d: {  	s2 =	sadd.s32 s2, s17  }
0x8e: {  	[smem:$0x3FBD] =	sst s2  }
0x8f: {  	_ = 	snop  }
0x90: {  	s2 =	sld [smem:$0x3FD0];
	(tm) =	ssettm $0x1  }
0x91: {  	s18 =	sld [smem:$0x3FFB];
	_ =	sdelay $0x3  }
0x92: {  	_ =	strace s18  }
0x93: {  	s3 =	sld [smem:$0x3FFC];
	_ =	sdelay $0x3  }
0x94: {  	_ =	strace s3  }
0x95: {  	s3 =	sld [smem:$0x3FFD];
	_ =	sdelay $0x3  }
0x96: {  	_ =	strace s3  }
0x97: {  	_ =	strace $0x8FFFFFFF  }
0x98: {  	s19 =	sld [smem:$0x3FDB];
	_ =	sdelay $0x1  }
0x99: {  	s4 =	simm.s32 $_scs_section_size  }
0x9a: {  	s5 =	simm.s32 $_size__tile_overlayer_lowered;
	s6 =	simm.s32 $_tile_overlayer_lowered  }
0x9b: {  	s22 =	simm.s32 $0x1BFF;
	s21 =	sshll.u32 s6, $0x1;
	s3 =	sadd.s32 s4, s19  }
0x9c: {  	s7 =	simm.s32 $0x0;
	s20 =	sshll.u32 s5, $0x1;
	s5 =	sadd.s32 s21, s3  }
0x9d: {  	[timem:s7], [sflag:s22] =	dma.local [hbm:s5], s20  }
0x9e: {  	_ =	swait.ge [sflag:s22], s20  }
0x9f: {  	s4 =	ssub.s32 $0x0, s20;
	[sflag:s22] =	ssyncset.done $0x0  }
0xa0: {  	[sflag:s22] =	ssyncadd.s32 s4;
	_ =	sdelay $0x1  }
0xa1: {  	s23 =	simm.s32 $0x1B8B  }
0xa2: {  	_ =	swait.ge [sflag:s23], $0x1  }
0xa3: {  	[sflag:s23] =	ssyncset.done $0x0  }
0xa4: {  	s25 =	simm.s32 $0x1B8E;
	s24 =	sld [smem:$0x3FFE];
	[sflag:s23] =	ssyncadd.s32 $0xFFFFFFFF  }
0xa5: {  	s26 =	simm.s32 $execute0_lowered;
	[smem:$0x3FD2] =	sst s25  }
0xa6: {  	s5 =	sshll.u32 s26, $0x1;
	_ =	strace $0x80000046;
	[dreg:$0x1] =	wrdreg $0xFFFFFFFF  }
0xa7: {  	s28 =	simm.s32 $_size_execute0_lowered;
	s3 =	sadd.s32 s3, s5;
	[dreg:$0x0] =	wrdreg $0x0  }
0xa8: {  	s5 =	sshll.u32 s28, $0x1;
	[dreg:$0x2] =	wrdreg s3  }
0xa9: {  	[dreg:$0x3] =	wrdreg s5  }
0xaa: {  	[dreg:$0x4] =	wrdreg $0xC0  }
0xab: {  	_ =	task [dreg:s7], $0x5FFFF  }
0xac: {  	[dreg:$0x1] =	wrdreg $0xFFFFFFFF  }
0xad: {  	[dreg:$0x0] =	wrdreg $0x60  }
0xae: {  	[dreg:$0x2] =	wrdreg s24  }
0xaf: {  	[dreg:$0x3] =	wrdreg s2  }
0xb0: {  	[dreg:$0x4] =	wrdreg $0x9  }
0xb1: {  	_ =	task.clear_ibuf [dreg:s7], $0x5FFFF;
	_ =	strace $0x90000046  }
0xb2: {  	s29 =	simm.s32 $0x9;
	_ =	strace $0x80000048  }
0xb3: {  	_ =	swait.ge [sflag:s29], $0x1  }
0xb4: {  	[sflag:s29] =	ssyncadd.s32 $0xFFFFFFFF  }
0xb5: {  	_ =	strace $0x90000048  }
0xb6: {  	_ =	sfence  }
0xb7: {  	s30 =	sld [smem:$0x0];
	_ =	sdelay $0x2  }
0xb8: {  	s31 =	sshll.u32 s1, $0xD;
	s1 =	sshrl.u32 s1, $0x2  }
0xb9: {  	s3 =	sand.u32 $0x4000, s31;
	s1 =	sadd.s32 s1, s30  }
0xba: {  	s0 =	sor.u32 s3, s0;
	s1 =	sshll.u32 s1, $0x11  }
0xbb: {  	s0 =	sor.u32 s1, s0  }
0xbc: {  	s0 =	sadd.s32 $0x8F2B, s0  }
0xbd: {  	[sflag:s0] =	ssyncadd.remote.s32 $0x1  }
0xbe: {  	_ =	sfence.sel $0xFFFF  }
0xbf: {  	[dreg:$0x0] =	wrdreg $0xFFFFFFFF;
	(pc) =	sbr.abs _section_cstart, $3  }
0xc0: {  	[dreg:$0x1] =	wrdreg $0xFFFFFFFF  }
0xc1: {  	_ =	task.clear_ibuf [dreg:s7], $0x2FFFF;
	_ =	strace $0x9FFFFFFF  }
0xc2: {  	(tm) =	ssettm $0x7FFFFFFF  }
0xc3: {  	_ =	shalt  }
tec
execute0_lowered:
.L_overlay_start_1:
0x0: {  	(tag) =	ssettag $0x1  }
0x1: {  	s0 =	rddreg [dreg:$0x0]  }
0x2: {  	s2 =	rddreg [dreg:$0x1];
	s4 =	srdreg.scid  }
0x3: {  	s1 =	stileid.u32;
	s3 =	simm.s32 $0x0;
	s30 =	simm.s32 $0x80  }
0x4: {  	s31 =	simm.s32 $0x900;
	s12 =	simm.s32 $0x2100;
	s13 =	simm.s32 $0x2900  }
0x5: {  	s14 =	simm.s32 $0x3100;
	s15 =	simm.s32 $0x3900;
	s16 =	simm.s32 $0x4100  }
0x6: {  	s17 =	simm.s32 $0x4900;
	s18 =	simm.s32 $0x5100;
	s19 =	simm.s32 $0x5900  }
0x7: {  	s20 =	simm.s32 $0x6100;
	s21 =	simm.s32 $0x6900;
	s28 =	simm.s32 $0x9900  }
0x8: {  	s29 =	simm.s32 $0x0;
	s5 =	sand.u32 $0x1, s4;
	s6 =	smul.u32 $0x4E20, s1  }
0x9: {  	[smem:$0x7FF] =	sst s3;
	s4 =	sadd.s32 $0x16C00, s0;
	s22 =	smul.u32 $0x9C400, s1  }
0xa: {  	s7 =	smul.u32 $0x2710, s5;
	_ =	strace $0x80000047;
	s8 =	ssub.s32 $0x2, s5  }
0xb: {  	s10 =	smul.u32 $0x4E200, s5;
	[dreg:$0x5] =	wrdreg s30;
	s9 =	sshrl.u32 s8, $0x1  }
0xc: {  	[dreg:$0x6] =	wrdreg s31;
	s6 =	sadd.s32 s7, s6;
	s23 =	ssub.s32 s8, s9  }
0xd: {  	s8 =	simm.s32 $0x1;
	s9 =	simm.s32 $0x100;
	s6 =	sshrl.u32 s6, $0x3  }
0xe: {  	s24 =	smax.u32 s23, $0x1;
	s23 =	simm.s32 $0x7900;
	s11 =	sadd.s32 s6, s0  }
0xf: {  	s0 =	sadd.s32 s22, s0;
	[dreg:$0x7] =	wrdreg s24;
	s22 =	simm.s32 $0x7100  }
0x10: {  	s24 =	simm.s32 $0x8100;
	s0 =	sadd.s32 s10, s0;
	s25 =	sadd.s32 $0xCE00, s11  }
0x11: {  	v2 =	vlaneseq.u32;
	s26 =	sadd.s32 $0x3000, s11;
	s10 =	simm.s32 $0x1100;
	s11 =	simm.s32 $0x1900  }
0x12: {  	vm0 =	vmmov $0xffff;
	v1 =	vshrl.u32 v2, $0x3;
	s6 =	sadd.s32 $0xA28E00, s0;
	[dreg:$0x3] =	wrdreg s25;
	s7 =	sadd.s32 $0x64E00, s0  }
0x13: {  	v0 =	vand.u32 $0x7, v2;
	v2 =	vor.u32 $0x8, v2;
	v1 =	vmul.u32 $0x8, v1;
	[dreg:$0x4] =	wrdreg s26;
	s25 =	simm.s32 $0x8900;
	s26 =	simm.s32 $0x9100  }
.LBB2_1:
0x14: {  	s30 =	smov.u32 s7;
	s31 =	smov.u32 s6;
	s0 =	simm.s32 $0x0  }
.LBB2_2:
0x15: {  	s1 =	rddreg [dreg:$0x4]  }
0x16: {  	s1 =	sadd.s32 s0, s1  }
0x17: {  	[tilespmem:s3], [sflag:$0x1] =	stream.linear.gather [hbm4b:s1+s3], $0x50, $0x38;
	[tilespmem:$0xA100] =	vst v63  }
0x18: {  	_ =	swait.ge [sflag:s8], $0x50  }
0x19: {  	s1 =	rddreg [dreg:$0x3];
	[sflag:s8] =	ssyncset.done $0x0  }
0x1a: {  	s5 =	rddreg [dreg:$0x5];
	[sflag:s8] =	ssyncadd.s32 $0xFFFFFFB0;
	s1 =	sadd.s32 s0, s1  }
0x1b: {  	[tilespmem:s5], [sflag:$0x1] =	stream.linear.gather [hbm4b:s1+s3], $0x50, $0x38;
	[tilespmem:$0xA100] =	vst v63  }
0x1c: {  	_ =	swait.ge [sflag:s8], $0x50  }
0x1d: {  	[sflag:s8] =	ssyncset.done $0x0  }
0x1e: {  	[sflag:s8] =	ssyncadd.s32 $0xFFFFFFB0  }
0x1f: {  	v3 =	vld [tilespmem:$0x0];
	_ =	sdelay $0x4  }
0x20: {  	v4 =	vshll.u32 v3, $0x1  }
0x21: {  	v3 =	vand.u32 $0x7, v3;
	v4 =	vand.u32 $0xFFFFFFF0, v4  }
0x22: {  	v3 =	vor.u32 v3, v4  }
0x23: {  	v4 =	vperm.xlane v3, v0;
	_ =	sdelay $0x1  }
0x24: {  	v3 =	vperm.xlane v3, v2;
	v4 =	vadd.s32 v1, v4;
	_ =	sdelay $0x1  }
0x25: {  	v3 =	vadd.s32 v1, v3;
	_ =	sdelay $0x2  }
0x26: {  	[tilespmem:s9], [sflag:$0x1] =	stream.indirect_vreg.gather [hbm4b:s4+s3], $0x80, v4, vm0, $0xb8;
	[tilespmem:$0xA100] =	vst v63  }
0x27: {  	s5 =	rddreg [dreg:$0x6]  }
0x28: {  	[tilespmem:s5], [sflag:$0x1] =	stream.indirect_vreg.gather [hbm4b:s4+s3], $0x80, v3, vm0, $0xb8;
	[tilespmem:$0xA100] =	vst v63  }
0x29: {  	v3 =	vld [tilespmem:$0x10];
	_ =	sdelay $0x4  }
0x2a: {  	v55 =	vshll.u32 v3, $0x1  }
0x2b: {  	v3 =	vand.u32 $0x7, v3;
	v4 =	vand.u32 $0xFFFFFFF0, v55  }
0x2c: {  	v3 =	vor.u32 v3, v4  }
0x2d: {  	v4 =	vperm.xlane v3, v0;
	_ =	sdelay $0x1  }
0x2e: {  	v3 =	vperm.xlane v3, v2;
	v4 =	vadd.s32 v1, v4;
	_ =	sdelay $0x1  }
0x2f: {  	v3 =	vadd.s32 v1, v3;
	_ =	sdelay $0x2  }
0x30: {  	[tilespmem:s10], [sflag:$0x1] =	stream.indirect_vreg.gather [hbm4b:s4+s3], $0x80, v4, vm0, $0xb8;
	[tilespmem:$0xA100] =	vst v63  }
0x31: {  	_ = 	snop  }
0x32: {  	[tilespmem:s11], [sflag:$0x1] =	stream.indirect_vreg.gather [hbm4b:s4+s3], $0x80, v3, vm0, $0xb8;
	[tilespmem:$0xA100] =	vst v63  }
0x33: {  	v3 =	vld [tilespmem:$0x20];
	_ =	sdelay $0x4  }
0x34: {  	v56 =	vshll.u32 v3, $0x1  }
0x35: {  	v3 =	vand.u32 $0x7, v3;
	v4 =	vand.u32 $0xFFFFFFF0, v56  }
0x36: {  	v3 =	vor.u32 v3, v4  }
0x37: {  	v4 =	vperm.xlane v3, v0;
	_ =	sdelay $0x1  }
0x38: {  	v3 =	vperm.xlane v3, v2;
	v4 =	vadd.s32 v1, v4;
	_ =	sdelay $0x1  }
0x39: {  	v3 =	vadd.s32 v1, v3;
	_ =	sdelay $0x2  }
0x3a: {  	[tilespmem:s12], [sflag:$0x1] =	stream.indirect_vreg.gather [hbm4b:s4+s3], $0x80, v4, vm0, $0xb8;
	[tilespmem:$0xA100] =	vst v63  }
0x3b: {  	_ = 	snop  }
0x3c: {  	[tilespmem:s13], [sflag:$0x1] =	stream.indirect_vreg.gather [hbm4b:s4+s3], $0x80, v3, vm0, $0xb8;
	[tilespmem:$0xA100] =	vst v63  }
0x3d: {  	v3 =	vld [tilespmem:$0x30];
	_ =	sdelay $0x4  }
0x3e: {  	v57 =	vshll.u32 v3, $0x1  }
0x3f: {  	v3 =	vand.u32 $0x7, v3;
	v4 =	vand.u32 $0xFFFFFFF0, v57  }
0x40: {  	v3 =	vor.u32 v3, v4  }
0x41: {  	v4 =	vperm.xlane v3, v0;
	_ =	sdelay $0x1  }
0x42: {  	v3 =	vperm.xlane v3, v2;
	v4 =	vadd.s32 v1, v4;
	_ =	sdelay $0x1  }
0x43: {  	v3 =	vadd.s32 v1, v3;
	_ =	sdelay $0x2  }
0x44: {  	[tilespmem:s14], [sflag:$0x1] =	stream.indirect_vreg.gather [hbm4b:s4+s3], $0x80, v4, vm0, $0xb8;
	[tilespmem:$0xA100] =	vst v63  }
0x45: {  	_ = 	snop  }
0x46: {  	[tilespmem:s15], [sflag:$0x1] =	stream.indirect_vreg.gather [hbm4b:s4+s3], $0x80, v3, vm0, $0xb8;
	[tilespmem:$0xA100] =	vst v63  }
0x47: {  	v3 =	vld [tilespmem:$0x40];
	_ =	sdelay $0x4  }
0x48: {  	v58 =	vshll.u32 v3, $0x1  }
0x49: {  	v3 =	vand.u32 $0x7, v3;
	v4 =	vand.u32 $0xFFFFFFF0, v58  }
0x4a: {  	v3 =	vor.u32 v3, v4  }
0x4b: {  	v4 =	vperm.xlane v3, v0;
	_ =	sdelay $0x1  }
0x4c: {  	v3 =	vperm.xlane v3, v2;
	v4 =	vadd.s32 v1, v4;
	_ =	sdelay $0x1  }
0x4d: {  	v3 =	vadd.s32 v1, v3;
	_ =	sdelay $0x2  }
0x4e: {  	[tilespmem:s16], [sflag:$0x1] =	stream.indirect_vreg.gather [hbm4b:s4+s3], $0x80, v4, vm0, $0xb8;
	[tilespmem:$0xA100] =	vst v63  }
0x4f: {  	_ = 	snop  }
0x50: {  	[tilespmem:s17], [sflag:$0x1] =	stream.indirect_vreg.gather [hbm4b:s4+s3], $0x80, v3, vm0, $0xb8;
	[tilespmem:$0xA100] =	vst v63  }
0x51: {  	_ =	swait.ge [sflag:s8], $0x5000  }
0x52: {  	[sflag:s8] =	ssyncset.done $0x0  }
0x53: {  	[sflag:s8] =	ssyncadd.s32 $0xFFFFB000  }
0x54: {  	v3 =	vld [tilespmem:$0x80];
	_ =	sdelay $0x4  }
0x55: {  	v59 =	vshll.u32 v3, $0x1  }
0x56: {  	v3 =	vand.u32 $0x7, v3;
	v4 =	vand.u32 $0xFFFFFFF0, v59  }
0x57: {  	v3 =	vor.u32 v3, v4  }
0x58: {  	v4 =	vperm.xlane v3, v0;
	_ =	sdelay $0x1  }
0x59: {  	v3 =	vperm.xlane v3, v2;
	v4 =	vadd.s32 v1, v4;
	_ =	sdelay $0x1  }
0x5a: {  	v3 =	vadd.s32 v1, v3;
	_ =	sdelay $0x2  }
0x5b: {  	[tilespmem:s18], [sflag:$0x1] =	stream.indirect_vreg.gather [hbm4b:s2+s3], $0x80, v4, vm0, $0xb8;
	[tilespmem:$0xA100] =	vst v63  }
0x5c: {  	_ = 	snop  }
0x5d: {  	[tilespmem:s19], [sflag:$0x1] =	stream.indirect_vreg.gather [hbm4b:s2+s3], $0x80, v3, vm0, $0xb8;
	[tilespmem:$0xA100] =	vst v63  }
0x5e: {  	v3 =	vld [tilespmem:$0x90];
	_ =	sdelay $0x4  }
0x5f: {  	v60 =	vshll.u32 v3, $0x1  }
0x60: {  	v3 =	vand.u32 $0x7, v3;
	v4 =	vand.u32 $0xFFFFFFF0, v60  }
0x61: {  	v3 =	vor.u32 v3, v4  }
0x62: {  	v4 =	vperm.xlane v3, v0;
	_ =	sdelay $0x1  }
0x63: {  	v3 =	vperm.xlane v3, v2;
	v4 =	vadd.s32 v1, v4;
	_ =	sdelay $0x1  }
0x64: {  	v3 =	vadd.s32 v1, v3;
	_ =	sdelay $0x2  }
0x65: {  	[tilespmem:s20], [sflag:$0x1] =	stream.indirect_vreg.gather [hbm4b:s2+s3], $0x80, v4, vm0, $0xb8;
	[tilespmem:$0xA100] =	vst v63  }
0x66: {  	_ = 	snop  }
0x67: {  	[tilespmem:s21], [sflag:$0x1] =	stream.indirect_vreg.gather [hbm4b:s2+s3], $0x80, v3, vm0, $0xb8;
	[tilespmem:$0xA100] =	vst v63  }
0x68: {  	v3 =	vld [tilespmem:$0xA0];
	_ =	sdelay $0x4  }
0x69: {  	v61 =	vshll.u32 v3, $0x1  }
0x6a: {  	v3 =	vand.u32 $0x7, v3;
	v4 =	vand.u32 $0xFFFFFFF0, v61  }
0x6b: {  	v3 =	vor.u32 v3, v4  }
0x6c: {  	v4 =	vperm.xlane v3, v0;
	_ =	sdelay $0x1  }
0x6d: {  	v3 =	vperm.xlane v3, v2;
	v4 =	vadd.s32 v1, v4;
	_ =	sdelay $0x1  }
0x6e: {  	v3 =	vadd.s32 v1, v3;
	_ =	sdelay $0x2  }
0x6f: {  	[tilespmem:s22], [sflag:$0x1] =	stream.indirect_vreg.gather [hbm4b:s2+s3], $0x80, v4, vm0, $0xb8;
	[tilespmem:$0xA100] =	vst v63  }
0x70: {  	_ = 	snop  }
0x71: {  	[tilespmem:s23], [sflag:$0x1] =	stream.indirect_vreg.gather [hbm4b:s2+s3], $0x80, v3, vm0, $0xb8;
	[tilespmem:$0xA100] =	vst v63  }
0x72: {  	v3 =	vld [tilespmem:$0xB0];
	_ =	sdelay $0x4  }
0x73: {  	v62 =	vshll.u32 v3, $0x1  }
0x74: {  	v3 =	vand.u32 $0x7, v3;
	v4 =	vand.u32 $0xFFFFFFF0, v62  }
0x75: {  	v3 =	vor.u32 v3, v4  }
0x76: {  	v4 =	vperm.xlane v3, v0;
	_ =	sdelay $0x1  }
0x77: {  	v3 =	vperm.xlane v3, v2;
	v4 =	vadd.s32 v1, v4;
	_ =	sdelay $0x1  }
0x78: {  	v3 =	vadd.s32 v1, v3;
	_ =	sdelay $0x2  }
0x79: {  	[tilespmem:s24], [sflag:$0x1] =	stream.indirect_vreg.gather [hbm4b:s2+s3], $0x80, v4, vm0, $0xb8;
	[tilespmem:$0xA100] =	vst v63  }
0x7a: {  	_ = 	snop  }
0x7b: {  	[tilespmem:s25], [sflag:$0x1] =	stream.indirect_vreg.gather [hbm4b:s2+s3], $0x80, v3, vm0, $0xb8;
	[tilespmem:$0xA100] =	vst v63  }
0x7c: {  	v3 =	vld [tilespmem:$0xC0];
	_ =	sdelay $0x4  }
0x7d: {  	v63 =	vshll.u32 v3, $0x1  }
0x7e: {  	v3 =	vand.u32 $0x7, v3;
	v4 =	vand.u32 $0xFFFFFFF0, v63  }
0x7f: {  	v3 =	vor.u32 v3, v4  }
0x80: {  	v4 =	vperm.xlane v3, v0;
	_ =	sdelay $0x1  }
0x81: {  	v3 =	vperm.xlane v3, v2;
	v4 =	vadd.s32 v1, v4;
	_ =	sdelay $0x1  }
0x82: {  	v3 =	vadd.s32 v1, v3;
	_ =	sdelay $0x2  }
0x83: {  	[tilespmem:s26], [sflag:$0x1] =	stream.indirect_vreg.gather [hbm4b:s2+s3], $0x80, v4, vm0, $0xb8;
	[tilespmem:$0xA100] =	vst v63  }
0x84: {  	_ = 	snop  }
0x85: {  	[tilespmem:s28], [sflag:$0x1] =	stream.indirect_vreg.gather [hbm4b:s2+s3], $0x80, v3, vm0, $0xb8;
	[tilespmem:$0xA100] =	vst v63  }
0x86: {  	_ =	swait.ge [sflag:s8], $0x5000  }
0x87: {  	[sflag:s8] =	ssyncset.done $0x0  }
0x88: {  	[sflag:s8] =	ssyncadd.s32 $0xFFFFB000  }
0x89: {  	[hbm4b:s31+s3] =	stream.linear.scatter [tilespmem:s9], [sflag:$0x1], $0x5000, $0x38;
	[tilespmem:$0xA100] =	vst v63  }
0x8a: {  	_ =	swait.ge [sflag:s8], $0x5000  }
0x8b: {  	p0 =	sne.s32 s0, $0x4D8;
	[sflag:s8] =	ssyncset.done $0x0  }
.Ltmp0:
0x8c: {  	[sflag:s8] =	ssyncadd.s32 $0xFFFFB000;
	(pc) =	sbr.rel @p0 .LBB2_2-.Ltmp0, $4  }
0x8d: {  	[hbm4b:s30+s3] =	stream.linear.scatter [tilespmem:s18], [sflag:$0x1], $0x5000, $0x38;
	[tilespmem:$0xA100] =	vst v63  }
0x8e: {  	_ =	swait.ge [sflag:s8], $0x5000  }
0x8f: {  	s0 =	sadd.s32 $0xA, s0;
	[sflag:s8] =	ssyncset.done $0x0  }
0x90: {  	s31 =	sadd.s32 $0xA00, s31;
	s30 =	sadd.s32 $0xA00, s30;
	[sflag:s8] =	ssyncadd.s32 $0xFFFFB000  }
0x91: {  	s29 =	sadd.s32 $0x1, s29;
	s0 =	rddreg [dreg:$0x7]  }
0x92: {  	p0 =	sne.s32 s29, s0  }
.Ltmp1:
0x93: {  	_ = 	snop;
	(pc) =	sbr.rel @p0 .LBB2_1-.Ltmp1, $1  }
0x94: {  	_ =	sdelay $0x3  }
0x95: {  	_ =	sfence.sel $0x180000  }
0x96: {  	[bflag:$0x0] =	sbarrier.arrive $0xFFFF  }
0x97: {  	_ =	strace $0x90000047  }
0x98: {  	s0 =	stileid.u32;
	[bflag:$0x2] =	sbarrier.arrive $0xFFFF  }
0x99: {  	p0 =	sne.s32 s0, $0x0;
	s0 =	rddreg [dreg:$0x2]  }
0x9a: {  	s0 =	sadd.s32 @!p0 $0x100000, s0  }
0x9b: {  	[sflag:s0] =	ssyncadd.tile.s32 @!p0 $0x1;
	_ =	shalt  }
.Lfunc_end2:
_tile_overlayer_lowered:
.L_overlay_start_2:
0x9c: {  	(tag) =	ssettag $0x2  }
0x9d: {  	s0 =	rddreg [dreg:$0x0];
	s2 =	stileid.u32  }
0x9e: {  	s1 =	rddreg [dreg:$0x1];
	p0 =	sne.s32 s2, $0x0  }
0x9f: {  	s3 =	rddreg [dreg:$0x2];
	[bflag:$0x3] =	sbarrier.arrive $0xFFFF;
	s2 =	simm.s32 @!p0 $0x1C01  }
0xa0: {  	[timem:s3], [sflag:s2] =	dma.local @!p0 [hbm:s0], s1  }
0xa1: {  	s0 =	simm.s32 @!p0 $0x1  }
0xa2: {  	_ =	swait.ge @!p0 [sflag:s0], s1  }
0xa3: {  	s1 =	ssub.s32 @!p0 $0x0, s1;
	[sflag:s0] =	ssyncset.done @!p0 $0x0  }
0xa4: {  	[sflag:s0] =	ssyncadd.s32 @!p0 s1  }
0xa5: {  	[bflag:$0x3] =	sbarrier.arrive $0xFFFF  }
0xa6: {  	_ =	shalt  }

// kernel: kernel.13.cloned.1.call-start
scs
__scs_entry_jumppad:
0x0: {  	(pc) =	sbr.rel $0x88, $3  }
0x1: {  	(tag) =	ssettag $0x0;
	lr =	simm.s32 $0x1  }
0x2: {  	[smem:$0x3F96] =	sst lr;
	_ =	strace $0xD0000000  }
0x3: {  	_ = 	snop  }
0x4: {  	_ = 	snop  }
0x5: {  	_ = 	snop  }
0x6: {  	_ = 	snop  }
0x7: {  	_ = 	snop  }
__scs_overlays_trampoline_lowered:
0x8: {  	[smem:$0x3FA5] =	sst s0  }
0x9: {  	[smem:$0x3FA6] =	sst s1  }
0xa: {  	[smem:$0x3FA7] =	sst s2  }
0xb: {  	[smem:$0x3FA8] =	sst s3  }
0xc: {  	[smem:$0x3FA9] =	sst s4  }
0xd: {  	[smem:$0x3FAA] =	sst s5  }
0xe: {  	[smem:$0x3FAB] =	sst s6  }
0xf: {  	[smem:$0x3FAC] =	sst s7  }
0x10: {  	[smem:$0x3FAD] =	sst s8  }
0x11: {  	[smem:$0x3FAE] =	sst s9;
	s0 =	simm.s32 @!p0 $0x0  }
0x12: {  	s1 =	sld [smem:$0x3F94];
	s0 =	simm.s32 @p0 $0x1  }
0x13: {  	[smem:$0x3FAF] =	sst s0;
	s0 =	simm.s32 @!p1 $0x0  }
0x14: {  	s2 =	sld [smem:$0x3F93];
	s0 =	simm.s32 @p1 $0x1  }
0x15: {  	[smem:$0x3FB0] =	sst s0;
	s0 =	simm.s32 @!p2 $0x0  }
0x16: {  	s3 =	sld [smem:$0x3FDB];
	s0 =	simm.s32 @p2 $0x1  }
0x17: {  	s4 =	simm.s32 $0x1BF5;
	[smem:$0x3FB2] =	sst s0  }
0x18: {  	s0 =	sld [smem:$0x3F95];
	_ =	swait.ge [sflag:s4], $0x0  }
0x19: {  	s7 =	sld [smem:$0x3F96]  }
0x1a: {  	s8 =	sadd.s32 $0xFFFFE003, lr  }
0x1b: {  	s9 =	sadd.s32 $0xFFFFFEF7, lr;
	s5 =	simm.s32 $0xFFFFFFFF;
	p2 =	slt.u32 s8, $0xFFFFF086  }
0x1c: {  	p1 =	slt.u32 s9, $0xF7A;
	s5 =	simm.s32 @!p2 $0x0  }
0x1d: {  	s5 =	simm.s32 @p1 $0x1;
	p0 =	seq.s32 s7, s2  }
0x1e: {  	s7 =	smul.u32 @!p0 $0xF7A, s2;
	p2 =	seq.s32 @!p0 s5, $0x0  }
0x1f: {  	s9 =	smul.u32 $0xF7A, s1;
	s8 =	simm.s32 @!p0 $0x1BF5;
	p2 =	por !p2, p0  }
0x20: {  	[sflag:s8] =	ssyncset.s32 @!p0 $0xFFFFF086;
	s6 =	sadd.s32 @!p0 s3, s7;
	s7 =	simm.s32 @!p0 $0x108  }
0x21: {  	s3 =	sadd.s32 s3, s9;
	s6 =	sadd.s32 @!p0 $0x88, s6;
	s7 =	simm.s32 @p2 $0x1082  }
0x22: {  	[simem:s7], [sflag:s8] =	dma.local @!p0 [hbm:s6], $0xF7A  }
0x23: {  	s9 =	sor.u32 $0xD0000000, s2;
	s6 =	simm.s32 $0x108;
	_ =	swait.ge @!p0 [sflag:s8], $0x0  }
0x24: {  	s3 =	sadd.s32 $0x88, s3;
	s6 =	simm.s32 @!p1 $0x1082;
	[sflag:s4] =	ssyncset.s32 $0xFFFFF086  }
0x25: {  	[simem:s6], [sflag:s4] =	dma.local [hbm:s3], $0xF7A  }
0x26: {  	[smem:$0x3F96] =	sst s1;
	(tag) =	ssettag s2;
	_ =	strace s9  }
0x27: {  	s1 =	sld [smem:$0x3FA6]  }
0x28: {  	s2 =	sld [smem:$0x3FA7]  }
0x29: {  	s4 =	sld [smem:$0x3FA9]  }
0x2a: {  	p0 =	seq.s32 s5, $0x0;
	s5 =	sld [smem:$0x3FAA]  }
0x2b: {  	s6 =	sld [smem:$0x3FAB]  }
0x2c: {  	s7 =	sld [smem:$0x3FAC]  }
0x2d: {  	s3 =	simm.s32 $0x108;
	s8 =	sld [smem:$0x3FAD]  }
0x2e: {  	s3 =	simm.s32 @!p0 $0x1082;
	s9 =	sld [smem:$0x3FAE]  }
0x2f: {  	lr =	sadd.s32 s0, s3;
	s0 =	sld [smem:$0x3FA5]  }
0x30: {  	s3 =	sld [smem:$0x3FA8]  }
0x31: {  	[smem:$0x3FB1] =	sst s10  }
0x32: {  	s10 =	sld [smem:$0x3FAF];
	_ =	sdelay $0x3  }
0x33: {  	p0 =	seq.s32 s10, $0x1;
	s10 =	sld [smem:$0x3FB1];
	_ =	sdelay $0x3  }
0x34: {  	[smem:$0x3FB1] =	sst s10  }
0x35: {  	s10 =	sld [smem:$0x3FB0];
	_ =	sdelay $0x3  }
0x36: {  	p1 =	seq.s32 s10, $0x1;
	s10 =	sld [smem:$0x3FB1];
	_ =	sdelay $0x3  }
0x37: {  	[smem:$0x3FB1] =	sst s10  }
0x38: {  	s10 =	sld [smem:$0x3FB2]  }
0x39: {  	_ = 	snop;
	(pc) =	sbr.ind lr, $3  }
0x3a: {  	_ = 	snop  }
0x3b: {  	_ = 	snop  }
0x3c: {  	p2 =	seq.s32 s10, $0x1;
	s10 =	sld [smem:$0x3FB1]  }
0x3d: {  	_ =	shalt  }
0x3e: {  	_ =	shalt  }
0x3f: {  	_ =	shalt  }
0x40: {  	_ =	shalt  }
0x41: {  	_ =	shalt  }
0x42: {  	_ =	shalt  }
0x43: {  	_ =	shalt  }
0x44: {  	_ =	shalt  }
0x45: {  	_ =	shalt  }
0x46: {  	_ =	shalt  }
0x47: {  	_ =	shalt  }
0x48: {  	_ =	shalt  }
0x49: {  	_ =	shalt  }
0x4a: {  	_ =	shalt  }
0x4b: {  	_ =	shalt  }
0x4c: {  	_ =	shalt  }
0x4d: {  	_ =	shalt  }
0x4e: {  	_ =	shalt  }
0x4f: {  	_ =	shalt  }
0x50: {  	_ =	shalt  }
0x51: {  	_ =	shalt  }
0x52: {  	_ =	shalt  }
0x53: {  	_ =	shalt  }
0x54: {  	_ =	shalt  }
0x55: {  	_ =	shalt  }
0x56: {  	_ =	shalt  }
0x57: {  	_ =	shalt  }
0x58: {  	_ =	shalt  }
0x59: {  	_ =	shalt  }
0x5a: {  	_ =	shalt  }
0x5b: {  	_ =	shalt  }
0x5c: {  	_ =	shalt  }
0x5d: {  	_ =	shalt  }
0x5e: {  	_ =	shalt  }
0x5f: {  	_ =	shalt  }
0x60: {  	_ =	shalt  }
0x61: {  	_ =	shalt  }
0x62: {  	_ =	shalt  }
0x63: {  	_ =	shalt  }
0x64: {  	_ =	shalt  }
0x65: {  	_ =	shalt  }
0x66: {  	_ =	shalt  }
0x67: {  	_ =	shalt  }
0x68: {  	_ =	shalt  }
0x69: {  	_ =	shalt  }
0x6a: {  	_ =	shalt  }
0x6b: {  	_ =	shalt  }
0x6c: {  	_ =	shalt  }
0x6d: {  	_ =	shalt  }
0x6e: {  	_ =	shalt  }
0x6f: {  	_ =	shalt  }
0x70: {  	_ =	shalt  }
0x71: {  	_ =	shalt  }
0x72: {  	_ =	shalt  }
0x73: {  	_ =	shalt  }
0x74: {  	_ =	shalt  }
0x75: {  	_ =	shalt  }
0x76: {  	_ =	shalt  }
0x77: {  	_ =	shalt  }
0x78: {  	_ =	shalt  }
0x79: {  	_ =	shalt  }
0x7a: {  	_ =	shalt  }
0x7b: {  	_ =	shalt  }
0x7c: {  	_ =	shalt  }
0x7d: {  	_ =	shalt  }
0x7e: {  	_ =	shalt  }
0x7f: {  	_ =	shalt  }
0x80: {  	_ =	shalt  }
0x81: {  	_ =	shalt  }
0x82: {  	_ =	shalt  }
0x83: {  	_ =	shalt  }
0x84: {  	_ =	shalt  }
0x85: {  	_ =	shalt  }
0x86: {  	_ =	shalt  }
0x87: {  	_ =	shalt  }
.Lfunc_end0:
.L_simem_size_0:
called_computation.1_lowered:
.L_overlay_start_0:
0x88: {  	s2 =	sld [smem:$0x3FD9]  }
0x89: {  	s3 =	sld [smem:$0x3FFE];
	_ =	sdelay $0x1  }
0x8a: {  	s1 =	srdreg.scid  }
0x8b: {  	s0 =	sand.u32 $0x1, s1  }
0x8c: {  	s17 =	sshll.u32 s0, $0xA;
	s2 =	sadd.s32 s3, s2  }
0x8d: {  	s2 =	sadd.s32 s2, s17  }
0x8e: {  	[smem:$0x3FBD] =	sst s2  }
0x8f: {  	_ = 	snop  }
0x90: {  	s2 =	sld [smem:$0x3FD0];
	(tm) =	ssettm $0x1  }
0x91: {  	s18 =	sld [smem:$0x3FFB];
	_ =	sdelay $0x3  }
0x92: {  	_ =	strace s18  }
0x93: {  	s3 =	sld [smem:$0x3FFC];
	_ =	sdelay $0x3  }
0x94: {  	_ =	strace s3  }
0x95: {  	s3 =	sld [smem:$0x3FFD];
	_ =	sdelay $0x3  }
0x96: {  	_ =	strace s3  }
0x97: {  	_ =	strace $0x8FFFFFFF  }
0x98: {  	s19 =	sld [smem:$0x3FDB];
	_ =	sdelay $0x1  }
0x99: {  	s4 =	simm.s32 $_scs_section_size  }
0x9a: {  	s5 =	simm.s32 $_size__tile_overlayer_lowered;
	s6 =	simm.s32 $_tile_overlayer_lowered  }
0x9b: {  	s22 =	simm.s32 $0x1BFF;
	s21 =	sshll.u32 s6, $0x1;
	s3 =	sadd.s32 s4, s19  }
0x9c: {  	s7 =	simm.s32 $0x0;
	s20 =	sshll.u32 s5, $0x1;
	s5 =	sadd.s32 s21, s3  }
0x9d: {  	[timem:s7], [sflag:s22] =	dma.local [hbm:s5], s20  }
0x9e: {  	_ =	swait.ge [sflag:s22], s20  }
0x9f: {  	s4 =	ssub.s32 $0x0, s20;
	[sflag:s22] =	ssyncset.done $0x0  }
0xa0: {  	[sflag:s22] =	ssyncadd.s32 s4;
	_ =	sdelay $0x1  }
0xa1: {  	s23 =	simm.s32 $0x1B8B  }
0xa2: {  	_ =	swait.ge [sflag:s23], $0x1  }
0xa3: {  	[sflag:s23] =	ssyncset.done $0x0  }
0xa4: {  	s25 =	simm.s32 $0x1B8E;
	s24 =	sld [smem:$0x3FFE];
	[sflag:s23] =	ssyncadd.s32 $0xFFFFFFFF  }
0xa5: {  	s26 =	simm.s32 $execute0_lowered;
	[smem:$0x3FD2] =	sst s25  }
0xa6: {  	s5 =	sshll.u32 s26, $0x1;
	_ =	strace $0x80000049;
	[dreg:$0x1] =	wrdreg $0xFFFFFFFF  }
0xa7: {  	s28 =	simm.s32 $_size_execute0_lowered;
	s3 =	sadd.s32 s3, s5;
	[dreg:$0x0] =	wrdreg $0x0  }
0xa8: {  	s5 =	sshll.u32 s28, $0x1;
	[dreg:$0x2] =	wrdreg s3  }
0xa9: {  	[dreg:$0x3] =	wrdreg s5  }
0xaa: {  	[dreg:$0x4] =	wrdreg $0xC0  }
0xab: {  	_ =	task [dreg:s7], $0x5FFFF  }
0xac: {  	[dreg:$0x1] =	wrdreg $0xFFFFFFFF  }
0xad: {  	[dreg:$0x0] =	wrdreg $0x60  }
0xae: {  	[dreg:$0x2] =	wrdreg s24  }
0xaf: {  	[dreg:$0x3] =	wrdreg s2  }
0xb0: {  	[dreg:$0x4] =	wrdreg $0x28800  }
0xb1: {  	[dreg:$0x5] =	wrdreg $0x9  }
0xb2: {  	_ =	task.clear_ibuf [dreg:s7], $0x6FFFF;
	_ =	strace $0x90000049  }
0xb3: {  	s29 =	simm.s32 $0x9;
	_ =	strace $0x8000004B  }
0xb4: {  	_ =	swait.ge [sflag:s29], $0x1  }
0xb5: {  	[sflag:s29] =	ssyncadd.s32 $0xFFFFFFFF  }
0xb6: {  	_ =	strace $0x9000004B  }
0xb7: {  	_ =	sfence  }
0xb8: {  	s30 =	sld [smem:$0x0];
	_ =	sdelay $0x2  }
0xb9: {  	s31 =	sshll.u32 s1, $0xD;
	s1 =	sshrl.u32 s1, $0x2  }
0xba: {  	s3 =	sand.u32 $0x4000, s31;
	s1 =	sadd.s32 s1, s30  }
0xbb: {  	s0 =	sor.u32 s3, s0;
	s1 =	sshll.u32 s1, $0x11  }
0xbc: {  	s0 =	sor.u32 s1, s0  }
0xbd: {  	s0 =	sadd.s32 $0x8F2B, s0  }
0xbe: {  	[sflag:s0] =	ssyncadd.remote.s32 $0x1  }
0xbf: {  	_ =	sfence.sel $0xFFFF  }
0xc0: {  	[dreg:$0x0] =	wrdreg $0xFFFFFFFF;
	(pc) =	sbr.abs _section_cstart, $3  }
0xc1: {  	[dreg:$0x1] =	wrdreg $0xFFFFFFFF  }
0xc2: {  	_ =	task.clear_ibuf [dreg:s7], $0x2FFFF;
	_ =	strace $0x9FFFFFFF  }
0xc3: {  	(tm) =	ssettm $0x7FFFFFFF  }
tec
execute0_lowered:
.L_overlay_start_1:
0x0: {  	(tag) =	ssettag $0x1  }
0x1: {  	s3 =	rddreg [dreg:$0x0]  }
0x2: {  	s4 =	rddreg [dreg:$0x1];
	s7 =	stileid.u32  }
0x3: {  	s0 =	srdreg.scid;
	s1 =	rddreg [dreg:$0x2];
	s2 =	simm.s32 $0x0  }
0x4: {  	s11 =	simm.s32 $0x50;
	s12 =	simm.s32 $0x0;
	s5 =	smul.u32 $0x4E200, s7  }
0x5: {  	s6 =	sand.u32 $0x1, s0;
	s8 =	smul.u32 $0x4E20, s7;
	s0 =	rddreg [dreg:$0x3]  }
0x6: {  	[smem:$0x7FF] =	sst s2;
	p0 =	sne.s32 s7, $0x0;
	s9 =	smul.u32 $0x2710, s6  }
0x7: {  	_ =	strace $0x8000004A;
	s31 =	ssub.s32 $0x2, s6;
	s6 =	smul.u32 $0x27100, s6  }
0x8: {  	s5 =	sadd.s32 s5, s3;
	s10 =	sshrl.u32 s31, $0x1;
	s8 =	sadd.s32 s9, s8  }
0x9: {  	s9 =	ssub.s32 s31, s10;
	s4 =	sadd.s32 s4, s6;
	s6 =	sadd.s32 s6, s5  }
0xa: {  	s10 =	simm.s32 $0x80;
	s8 =	sshrl.u32 s8, $0x3;
	s5 =	smax.u32 s9, $0x1  }
0xb: {  	s6 =	sadd.s32 $0x18CF000, s6;
	s9 =	simm.s32 $0x1;
	s8 =	sadd.s32 s8, s3  }
0xc: {  	s3 =	sadd.s32 $0x13ECE00, s3;
	s7 =	sadd.s32 $0xCE00, s8;
	s8 =	sshrl.u32 @!p0 s1, $0x3  }
.LBB2_1:
0xd: {  	s13 =	simm.s32 @!p0 $0x1C01  }
0xe: {  	[spmem:s8], [sflag:s13] =	dma.local @!p0 [hbm:s3], $0x27100  }
0xf: {  	s13 =	simm.s32 @!p0 $0x1  }
0x10: {  	_ =	swait.ge @!p0 [sflag:s13], $0x27100  }
0x11: {  	[sflag:s13] =	ssyncset.done @!p0 $0x0  }
0x12: {  	[sflag:s13] =	ssyncadd.s32 @!p0 $0xFFFD8F00  }
0x13: {  	s31 =	sadd.s32 $0x0, s7;
	[bflag:$0x0] =	sbarrier.arrive $0xFFFF  }
0x14: {  	[tilespmem:s2], [sflag:$0x1] =	stream.linear.gather [hbm4b:s31+s2], $0x50, $0x38;
	[tilespmem:$0x16100] =	vst v63  }
0x15: {  	_ =	swait.ge [sflag:s9], $0x50  }
0x16: {  	[sflag:s9] =	ssyncset.done $0x0  }
0x17: {  	[sflag:s9] =	ssyncadd.s32 $0xFFFFFFB0  }
0x18: {  	[tilespmem:s10], [sflag:$0x1] =	stream.linear.gather [hbm4b:s6+s2], $0x2800, $0x38;
	[tilespmem:$0x16100] =	vst v63  }
0x19: {  	_ =	swait.ge [sflag:s9], $0x2800  }
0x1a: {  	[sflag:s9] =	ssyncset.done $0x0  }
0x1b: {  	[sflag:s9] =	ssyncadd.s32 $0xFFFFD800  }
0x1c: {  	[spmem:s1] =	stream.indirect.scatter.add.f32 [tilespmem:s10], [sflag:$0x1], $0x80, s2, s11, $0xb8;
	[tilespmem:$0x16100] =	vst v63  }
0x1d: {  	s14 =	simm.s32 $0xA;
	_ =	swait.ge [sflag:s9], $0x2800  }
0x1e: {  	s15 =	simm.s32 $0x14;
	s13 =	sadd.s32 $0x500, s6;
	[sflag:s9] =	ssyncset.done $0x0  }
.LBB2_2:
0x1f: {  	s16 =	sadd.s32 s14, s7  }
0x20: {  	[sflag:s9] =	ssyncadd.s32 $0xFFFFD800;
	s14 =	smov.u32 s15;
	s17 =	sadd.s32 $0xA, s15  }
0x21: {  	[tilespmem:s2], [sflag:$0x1] =	stream.linear.gather [hbm4b:s16+s2], $0x50, $0x38;
	[tilespmem:$0x16100] =	vst v63  }
0x22: {  	p1 =	sne.s32 s15, $0x4D8;
	_ =	swait.ge [sflag:s9], $0x50  }
0x23: {  	[sflag:s9] =	ssyncset.done $0x0  }
0x24: {  	[sflag:s9] =	ssyncadd.s32 $0xFFFFFFB0  }
0x25: {  	[tilespmem:s10], [sflag:$0x1] =	stream.linear.gather [hbm4b:s13+s2], $0x2800, $0x38;
	[tilespmem:$0x16100] =	vst v63  }
0x26: {  	_ =	swait.ge [sflag:s9], $0x2800  }
.Ltmp0:
0x27: {  	[sflag:s9] =	ssyncset.done $0x0;
	(pc) =	sbr.rel @p1 .LBB2_2-.Ltmp0, $4  }
0x28: {  	[sflag:s9] =	ssyncadd.s32 $0xFFFFD800  }
0x29: {  	[spmem:s1] =	stream.indirect.scatter.add.f32 [tilespmem:s10], [sflag:$0x1], $0x80, s2, s11, $0xb8;
	[tilespmem:$0x16100] =	vst v63  }
0x2a: {  	_ =	swait.ge [sflag:s9], $0x2800  }
0x2b: {  	s15 =	smov.u32 s17;
	s13 =	sadd.s32 $0x500, s13;
	[sflag:s9] =	ssyncset.done $0x0  }
0x2c: {  	s14 =	sadd.s32 s14, s7;
	[sflag:s9] =	ssyncadd.s32 $0xFFFFD800  }
0x2d: {  	[tilespmem:s2], [sflag:$0x1] =	stream.linear.gather [hbm4b:s14+s2], $0x50, $0x38;
	[tilespmem:$0x16100] =	vst v63  }
0x2e: {  	_ =	swait.ge [sflag:s9], $0x50  }
0x2f: {  	[sflag:s9] =	ssyncset.done $0x0  }
0x30: {  	[sflag:s9] =	ssyncadd.s32 $0xFFFFFFB0  }
0x31: {  	[tilespmem:s10], [sflag:$0x1] =	stream.linear.gather [hbm4b:s13+s2], $0x2800, $0x38;
	[tilespmem:$0x16100] =	vst v63  }
0x32: {  	_ =	swait.ge [sflag:s9], $0x2800  }
0x33: {  	[sflag:s9] =	ssyncset.done $0x0  }
0x34: {  	[sflag:s9] =	ssyncadd.s32 $0xFFFFD800  }
0x35: {  	[spmem:s1] =	stream.indirect.scatter.add.f32 [tilespmem:s10], [sflag:$0x1], $0x80, s2, s11, $0xb8;
	[tilespmem:$0x16100] =	vst v63  }
0x36: {  	_ =	swait.ge [sflag:s9], $0x2800  }
0x37: {  	[sflag:s9] =	ssyncset.done $0x0  }
0x38: {  	s12 =	sadd.s32 $0x1, s12;
	[sflag:s9] =	ssyncadd.s32 $0xFFFFD800  }
0x39: {  	p1 =	sne.s32 s12, s5;
	s13 =	simm.s32 @!p0 $0x1C01;
	[bflag:$0x0] =	sbarrier.arrive $0xFFFF  }
0x3a: {  	[hbm:s4], [sflag:s13] =	dma.local @!p0 [spmem:s8], $0x27100  }
.Ltmp1:
0x3b: {  	_ = 	snop;
	(pc) =	sbr.rel @p1 .LBB2_1-.Ltmp1, $4  }
0x3c: {  	s13 =	simm.s32 @!p0 $0x1  }
0x3d: {  	_ =	swait.ge @!p0 [sflag:s13], $0x27100  }
0x3e: {  	[sflag:s13] =	ssyncset.done @!p0 $0x0  }
0x3f: {  	[sflag:s13] =	ssyncadd.s32 @!p0 $0xFFFD8F00  }
0x40: {  	_ =	sfence.sel $0x180000  }
0x41: {  	[bflag:$0x0] =	sbarrier.arrive $0xFFFF  }
0x42: {  	_ =	strace $0x9000004A  }
0x43: {  	s0 =	sadd.s32 @!p0 $0x100000, s0;
	[bflag:$0x2] =	sbarrier.arrive $0xFFFF  }
0x44: {  	[sflag:s0] =	ssyncadd.tile.s32 @!p0 $0x1;
	_ =	shalt  }
.Lfunc_end2:
_tile_overlayer_lowered:
.L_overlay_start_2:
0x45: {  	(tag) =	ssettag $0x2  }
0x46: {  	s0 =	rddreg [dreg:$0x0];
	s2 =	stileid.u32  }
0x47: {  	s1 =	rddreg [dreg:$0x1];
	p0 =	sne.s32 s2, $0x0  }
0x48: {  	s3 =	rddreg [dreg:$0x2];
	[bflag:$0x3] =	sbarrier.arrive $0xFFFF;
	s2 =	simm.s32 @!p0 $0x1C01  }
0x49: {  	[timem:s3], [sflag:s2] =	dma.local @!p0 [hbm:s0], s1  }
0x4a: {  	s0 =	simm.s32 @!p0 $0x1  }
0x4b: {  	_ =	swait.ge @!p0 [sflag:s0], s1  }
0x4c: {  	s1 =	ssub.s32 @!p0 $0x0, s1;
	[sflag:s0] =	ssyncset.done @!p0 $0x0  }
0x4d: {  	[sflag:s0] =	ssyncadd.s32 @!p0 s1  }
0x4e: {  	[bflag:$0x3] =	sbarrier.arrive $0xFFFF  }
0x4f: {  	_ =	shalt  }

// kernel: kernel.16.cloned.1.call-start
scs
__scs_entry_jumppad:
0x0: {  	(pc) =	sbr.rel $0x88, $3  }
0x1: {  	(tag) =	ssettag $0x0;
	lr =	simm.s32 $0x1  }
0x2: {  	[smem:$0x3F96] =	sst lr;
	_ =	strace $0xD0000000  }
0x3: {  	_ = 	snop  }
0x4: {  	_ = 	snop  }
0x5: {  	_ = 	snop  }
0x6: {  	_ = 	snop  }
0x7: {  	_ = 	snop  }
__scs_overlays_trampoline_lowered:
0x8: {  	[smem:$0x3FA5] =	sst s0  }
0x9: {  	[smem:$0x3FA6] =	sst s1  }
0xa: {  	[smem:$0x3FA7] =	sst s2  }
0xb: {  	[smem:$0x3FA8] =	sst s3  }
0xc: {  	[smem:$0x3FA9] =	sst s4  }
0xd: {  	[smem:$0x3FAA] =	sst s5  }
0xe: {  	[smem:$0x3FAB] =	sst s6  }
0xf: {  	[smem:$0x3FAC] =	sst s7  }
0x10: {  	[smem:$0x3FAD] =	sst s8  }
0x11: {  	[smem:$0x3FAE] =	sst s9;
	s0 =	simm.s32 @!p0 $0x0  }
0x12: {  	s1 =	sld [smem:$0x3F94];
	s0 =	simm.s32 @p0 $0x1  }
0x13: {  	[smem:$0x3FAF] =	sst s0;
	s0 =	simm.s32 @!p1 $0x0  }
0x14: {  	s2 =	sld [smem:$0x3F93];
	s0 =	simm.s32 @p1 $0x1  }
0x15: {  	[smem:$0x3FB0] =	sst s0;
	s0 =	simm.s32 @!p2 $0x0  }
0x16: {  	s3 =	sld [smem:$0x3FDB];
	s0 =	simm.s32 @p2 $0x1  }
0x17: {  	s4 =	simm.s32 $0x1BF5;
	[smem:$0x3FB2] =	sst s0  }
0x18: {  	s0 =	sld [smem:$0x3F95];
	_ =	swait.ge [sflag:s4], $0x0  }
0x19: {  	s7 =	sld [smem:$0x3F96]  }
0x1a: {  	s8 =	sadd.s32 $0xFFFFE003, lr  }
0x1b: {  	s9 =	sadd.s32 $0xFFFFFEF7, lr;
	s5 =	simm.s32 $0xFFFFFFFF;
	p2 =	slt.u32 s8, $0xFFFFF086  }
0x1c: {  	p1 =	slt.u32 s9, $0xF7A;
	s5 =	simm.s32 @!p2 $0x0  }
0x1d: {  	s5 =	simm.s32 @p1 $0x1;
	p0 =	seq.s32 s7, s2  }
0x1e: {  	s7 =	smul.u32 @!p0 $0xF7A, s2;
	p2 =	seq.s32 @!p0 s5, $0x0  }
0x1f: {  	s9 =	smul.u32 $0xF7A, s1;
	s8 =	simm.s32 @!p0 $0x1BF5;
	p2 =	por !p2, p0  }
0x20: {  	[sflag:s8] =	ssyncset.s32 @!p0 $0xFFFFF086;
	s6 =	sadd.s32 @!p0 s3, s7;
	s7 =	simm.s32 @!p0 $0x108  }
0x21: {  	s3 =	sadd.s32 s3, s9;
	s6 =	sadd.s32 @!p0 $0x88, s6;
	s7 =	simm.s32 @p2 $0x1082  }
0x22: {  	[simem:s7], [sflag:s8] =	dma.local @!p0 [hbm:s6], $0xF7A  }
0x23: {  	s9 =	sor.u32 $0xD0000000, s2;
	s6 =	simm.s32 $0x108;
	_ =	swait.ge @!p0 [sflag:s8], $0x0  }
0x24: {  	s3 =	sadd.s32 $0x88, s3;
	s6 =	simm.s32 @!p1 $0x1082;
	[sflag:s4] =	ssyncset.s32 $0xFFFFF086  }
0x25: {  	[simem:s6], [sflag:s4] =	dma.local [hbm:s3], $0xF7A  }
0x26: {  	[smem:$0x3F96] =	sst s1;
	(tag) =	ssettag s2;
	_ =	strace s9  }
0x27: {  	s1 =	sld [smem:$0x3FA6]  }
0x28: {  	s2 =	sld [smem:$0x3FA7]  }
0x29: {  	s4 =	sld [smem:$0x3FA9]  }
0x2a: {  	p0 =	seq.s32 s5, $0x0;
	s5 =	sld [smem:$0x3FAA]  }
0x2b: {  	s6 =	sld [smem:$0x3FAB]  }
0x2c: {  	s7 =	sld [smem:$0x3FAC]  }
0x2d: {  	s3 =	simm.s32 $0x108;
	s8 =	sld [smem:$0x3FAD]  }
0x2e: {  	s3 =	simm.s32 @!p0 $0x1082;
	s9 =	sld [smem:$0x3FAE]  }
0x2f: {  	lr =	sadd.s32 s0, s3;
	s0 =	sld [smem:$0x3FA5]  }
0x30: {  	s3 =	sld [smem:$0x3FA8]  }
0x31: {  	[smem:$0x3FB1] =	sst s10  }
0x32: {  	s10 =	sld [smem:$0x3FAF];
	_ =	sdelay $0x3  }
0x33: {  	p0 =	seq.s32 s10, $0x1;
	s10 =	sld [smem:$0x3FB1];
	_ =	sdelay $0x3  }
0x34: {  	[smem:$0x3FB1] =	sst s10  }
0x35: {  	s10 =	sld [smem:$0x3FB0];
	_ =	sdelay $0x3  }
0x36: {  	p1 =	seq.s32 s10, $0x1;
	s10 =	sld [smem:$0x3FB1];
	_ =	sdelay $0x3  }
0x37: {  	[smem:$0x3FB1] =	sst s10  }
0x38: {  	s10 =	sld [smem:$0x3FB2]  }
0x39: {  	_ = 	snop;
	(pc) =	sbr.ind lr, $3  }
0x3a: {  	_ = 	snop  }
0x3b: {  	_ = 	snop  }
0x3c: {  	p2 =	seq.s32 s10, $0x1;
	s10 =	sld [smem:$0x3FB1]  }
0x3d: {  	_ =	shalt  }
0x3e: {  	_ =	shalt  }
0x3f: {  	_ =	shalt  }
0x40: {  	_ =	shalt  }
0x41: {  	_ =	shalt  }
0x42: {  	_ =	shalt  }
0x43: {  	_ =	shalt  }
0x44: {  	_ =	shalt  }
0x45: {  	_ =	shalt  }
0x46: {  	_ =	shalt  }
0x47: {  	_ =	shalt  }
0x48: {  	_ =	shalt  }
0x49: {  	_ =	shalt  }
0x4a: {  	_ =	shalt  }
0x4b: {  	_ =	shalt  }
0x4c: {  	_ =	shalt  }
0x4d: {  	_ =	shalt  }
0x4e: {  	_ =	shalt  }
0x4f: {  	_ =	shalt  }
0x50: {  	_ =	shalt  }
0x51: {  	_ =	shalt  }
0x52: {  	_ =	shalt  }
0x53: {  	_ =	shalt  }
0x54: {  	_ =	shalt  }
0x55: {  	_ =	shalt  }
0x56: {  	_ =	shalt  }
0x57: {  	_ =	shalt  }
0x58: {  	_ =	shalt  }
0x59: {  	_ =	shalt  }
0x5a: {  	_ =	shalt  }
0x5b: {  	_ =	shalt  }
0x5c: {  	_ =	shalt  }
0x5d: {  	_ =	shalt  }
0x5e: {  	_ =	shalt  }
0x5f: {  	_ =	shalt  }
0x60: {  	_ =	shalt  }
0x61: {  	_ =	shalt  }
0x62: {  	_ =	shalt  }
0x63: {  	_ =	shalt  }
0x64: {  	_ =	shalt  }
0x65: {  	_ =	shalt  }
0x66: {  	_ =	shalt  }
0x67: {  	_ =	shalt  }
0x68: {  	_ =	shalt  }
0x69: {  	_ =	shalt  }
0x6a: {  	_ =	shalt  }
0x6b: {  	_ =	shalt  }
0x6c: {  	_ =	shalt  }
0x6d: {  	_ =	shalt  }
0x6e: {  	_ =	shalt  }
0x6f: {  	_ =	shalt  }
0x70: {  	_ =	shalt  }
0x71: {  	_ =	shalt  }
0x72: {  	_ =	shalt  }
0x73: {  	_ =	shalt  }
0x74: {  	_ =	shalt  }
0x75: {  	_ =	shalt  }
0x76: {  	_ =	shalt  }
0x77: {  	_ =	shalt  }
0x78: {  	_ =	shalt  }
0x79: {  	_ =	shalt  }
0x7a: {  	_ =	shalt  }
0x7b: {  	_ =	shalt  }
0x7c: {  	_ =	shalt  }
0x7d: {  	_ =	shalt  }
0x7e: {  	_ =	shalt  }
0x7f: {  	_ =	shalt  }
0x80: {  	_ =	shalt  }
0x81: {  	_ =	shalt  }
0x82: {  	_ =	shalt  }
0x83: {  	_ =	shalt  }
0x84: {  	_ =	shalt  }
0x85: {  	_ =	shalt  }
0x86: {  	_ =	shalt  }
0x87: {  	_ =	shalt  }
.Lfunc_end0:
.L_simem_size_0:
called_computation.2_lowered:
.L_overlay_start_0:
0x88: {  	s2 =	sld [smem:$0x3FD9]  }
0x89: {  	s3 =	sld [smem:$0x3FFE];
	_ =	sdelay $0x1  }
0x8a: {  	s1 =	srdreg.scid  }
0x8b: {  	s0 =	sand.u32 $0x1, s1  }
0x8c: {  	s17 =	sshll.u32 s0, $0xA;
	s2 =	sadd.s32 s3, s2  }
0x8d: {  	s2 =	sadd.s32 s2, s17  }
0x8e: {  	[smem:$0x3FBD] =	sst s2  }
0x8f: {  	_ = 	snop  }
0x90: {  	s2 =	sld [smem:$0x3FD0];
	(tm) =	ssettm $0x1  }
0x91: {  	s18 =	sld [smem:$0x3FFB];
	_ =	sdelay $0x3  }
0x92: {  	_ =	strace s18  }
0x93: {  	s3 =	sld [smem:$0x3FFC];
	_ =	sdelay $0x3  }
0x94: {  	_ =	strace s3  }
0x95: {  	s3 =	sld [smem:$0x3FFD];
	_ =	sdelay $0x3  }
0x96: {  	_ =	strace s3  }
0x97: {  	_ =	strace $0x8FFFFFFF  }
0x98: {  	s19 =	sld [smem:$0x3FDB];
	_ =	sdelay $0x1  }
0x99: {  	s4 =	simm.s32 $_scs_section_size  }
0x9a: {  	s5 =	simm.s32 $_size__tile_overlayer_lowered;
	s6 =	simm.s32 $_tile_overlayer_lowered  }
0x9b: {  	s22 =	simm.s32 $0x1BFF;
	s21 =	sshll.u32 s6, $0x1;
	s3 =	sadd.s32 s4, s19  }
0x9c: {  	s7 =	simm.s32 $0x0;
	s20 =	sshll.u32 s5, $0x1;
	s5 =	sadd.s32 s21, s3  }
0x9d: {  	[timem:s7], [sflag:s22] =	dma.local [hbm:s5], s20  }
0x9e: {  	_ =	swait.ge [sflag:s22], s20  }
0x9f: {  	s4 =	ssub.s32 $0x0, s20;
	[sflag:s22] =	ssyncset.done $0x0  }
0xa0: {  	[sflag:s22] =	ssyncadd.s32 s4;
	_ =	sdelay $0x1  }
0xa1: {  	s23 =	simm.s32 $0x1B8B  }
0xa2: {  	_ =	swait.ge [sflag:s23], $0x1  }
0xa3: {  	[sflag:s23] =	ssyncset.done $0x0  }
0xa4: {  	s25 =	simm.s32 $0x1B8E;
	s24 =	sld [smem:$0x3FFE];
	[sflag:s23] =	ssyncadd.s32 $0xFFFFFFFF  }
0xa5: {  	s26 =	simm.s32 $execute0_lowered;
	[smem:$0x3FD2] =	sst s25  }
0xa6: {  	s5 =	sshll.u32 s26, $0x1;
	_ =	strace $0x8000004C;
	[dreg:$0x1] =	wrdreg $0xFFFFFFFF  }
0xa7: {  	s28 =	simm.s32 $_size_execute0_lowered;
	s3 =	sadd.s32 s3, s5;
	[dreg:$0x0] =	wrdreg $0x0  }
0xa8: {  	s5 =	sshll.u32 s28, $0x1;
	[dreg:$0x2] =	wrdreg s3  }
0xa9: {  	[dreg:$0x3] =	wrdreg s5  }
0xaa: {  	[dreg:$0x4] =	wrdreg $0xC0  }
0xab: {  	_ =	task [dreg:s7], $0x5FFFF  }
0xac: {  	[dreg:$0x1] =	wrdreg $0xFFFFFFFF  }
0xad: {  	[dreg:$0x0] =	wrdreg $0x60  }
0xae: {  	[dreg:$0x2] =	wrdreg s2  }
0xaf: {  	[dreg:$0x3] =	wrdreg s24  }
0xb0: {  	[dreg:$0x4] =	wrdreg $0x9  }
0xb1: {  	_ =	task.clear_ibuf [dreg:s7], $0x5FFFF;
	_ =	strace $0x9000004C  }
0xb2: {  	s29 =	simm.s32 $0x9;
	_ =	strace $0x8000004E  }
0xb3: {  	_ =	swait.ge [sflag:s29], $0x1  }
0xb4: {  	[sflag:s29] =	ssyncadd.s32 $0xFFFFFFFF  }
0xb5: {  	_ =	strace $0x9000004E  }
0xb6: {  	_ =	sfence  }
0xb7: {  	s30 =	sld [smem:$0x0];
	_ =	sdelay $0x2  }
0xb8: {  	s31 =	sshll.u32 s1, $0xD;
	s1 =	sshrl.u32 s1, $0x2  }
0xb9: {  	s3 =	sand.u32 $0x4000, s31;
	s1 =	sadd.s32 s1, s30  }
0xba: {  	s0 =	sor.u32 s3, s0;
	s1 =	sshll.u32 s1, $0x11  }
0xbb: {  	s0 =	sor.u32 s1, s0  }
0xbc: {  	s0 =	sadd.s32 $0x8F2B, s0  }
0xbd: {  	[sflag:s0] =	ssyncadd.remote.s32 $0x1  }
0xbe: {  	_ =	sfence.sel $0xFFFF  }
0xbf: {  	[dreg:$0x0] =	wrdreg $0xFFFFFFFF;
	(pc) =	sbr.abs _section_cstart, $3  }
0xc0: {  	[dreg:$0x1] =	wrdreg $0xFFFFFFFF  }
0xc1: {  	_ =	task.clear_ibuf [dreg:s7], $0x2FFFF;
	_ =	strace $0x9FFFFFFF  }
0xc2: {  	(tm) =	ssettm $0x7FFFFFFF  }
0xc3: {  	_ =	shalt  }
tec
execute0_lowered:
.L_overlay_start_1:
0x0: {  	(tag) =	ssettag $0x1  }
0x1: {  	s2 =	rddreg [dreg:$0x0]  }
0x2: {  	s4 =	rddreg [dreg:$0x1]  }
0x3: {  	s0 =	rddreg [dreg:$0x2];
	s1 =	stileid.u32  }
0x4: {  	s5 =	srdreg.scid;
	s3 =	simm.s32 $0x0;
	s6 =	smul.u32 $0x4E20, s1  }
0x5: {  	s10 =	simm.s32 $0x0;
	s5 =	sand.u32 $0x1, s5;
	s8 =	smul.u32 $0x4E200, s1  }
0x6: {  	[smem:$0x7FF] =	sst s3;
	s7 =	smul.u32 $0x2710, s5;
	s9 =	ssub.s32 $0x2, s5  }
0x7: {  	_ =	strace $0x8000004D;
	s5 =	smul.u32 $0x27100, s5;
	s31 =	sshrl.u32 s9, $0x1  }
0x8: {  	s8 =	sadd.s32 s8, s4;
	s6 =	sadd.s32 s7, s6;
	s7 =	ssub.s32 s9, s31  }
0x9: {  	s5 =	sadd.s32 s5, s8;
	s8 =	simm.s32 $0x50;
	s6 =	sshrl.u32 s6, $0x3  }
0xa: {  	s9 =	simm.s32 $0x80;
	s5 =	sadd.s32 $0x16C00, s5;
	s6 =	sadd.s32 s6, s4  }
0xb: {  	s4 =	smax.u32 s7, $0x1;
	s7 =	simm.s32 $0x1;
	s6 =	sadd.s32 $0xCE00, s6  }
.LBB2_1:
0xc: {  	s11 =	sadd.s32 $0x0, s6  }
0xd: {  	[tilespmem:s3], [sflag:$0x1] =	stream.linear.gather [hbm4b:s11+s3], $0x50, $0x38;
	[tilespmem:$0x2880] =	vst v63  }
0xe: {  	_ =	swait.ge [sflag:s7], $0x50  }
0xf: {  	[sflag:s7] =	ssyncset.done $0x0  }
0x10: {  	[sflag:s7] =	ssyncadd.s32 $0xFFFFFFB0  }
0x11: {  	[tilespmem:s9], [sflag:$0x1] =	stream.indirect.gather [hbm4b:s2+s8], $0x80, s3, s8, $0xb8;
	[tilespmem:$0x2880] =	vst v63  }
0x12: {  	_ =	swait.ge [sflag:s7], $0x2800  }
0x13: {  	[sflag:s7] =	ssyncset.done $0x0  }
0x14: {  	[sflag:s7] =	ssyncadd.s32 $0xFFFFD800  }
0x15: {  	[hbm4b:s5+s3] =	stream.linear.scatter [tilespmem:s9], [sflag:$0x1], $0x2800, $0x38;
	[tilespmem:$0x2880] =	vst v63  }
0x16: {  	s12 =	simm.s32 $0xA;
	_ =	swait.ge [sflag:s7], $0x2800  }
0x17: {  	s13 =	simm.s32 $0x14;
	s11 =	sadd.s32 $0x500, s5;
	[sflag:s7] =	ssyncset.done $0x0  }
.LBB2_2:
0x18: {  	s14 =	sadd.s32 s12, s6  }
0x19: {  	[sflag:s7] =	ssyncadd.s32 $0xFFFFD800;
	s12 =	smov.u32 s13;
	s15 =	sadd.s32 $0xA, s13  }
0x1a: {  	[tilespmem:s3], [sflag:$0x1] =	stream.linear.gather [hbm4b:s14+s3], $0x50, $0x38;
	[tilespmem:$0x2880] =	vst v63  }
0x1b: {  	p0 =	sne.s32 s13, $0x4D8;
	_ =	swait.ge [sflag:s7], $0x50  }
0x1c: {  	[sflag:s7] =	ssyncset.done $0x0  }
0x1d: {  	[sflag:s7] =	ssyncadd.s32 $0xFFFFFFB0  }
0x1e: {  	[tilespmem:s9], [sflag:$0x1] =	stream.indirect.gather [hbm4b:s2+s8], $0x80, s3, s8, $0xb8;
	[tilespmem:$0x2880] =	vst v63  }
0x1f: {  	_ =	swait.ge [sflag:s7], $0x2800  }
.Ltmp0:
0x20: {  	[sflag:s7] =	ssyncset.done $0x0;
	(pc) =	sbr.rel @p0 .LBB2_2-.Ltmp0, $4  }
0x21: {  	[sflag:s7] =	ssyncadd.s32 $0xFFFFD800  }
0x22: {  	[hbm4b:s11+s3] =	stream.linear.scatter [tilespmem:s9], [sflag:$0x1], $0x2800, $0x38;
	[tilespmem:$0x2880] =	vst v63  }
0x23: {  	_ =	swait.ge [sflag:s7], $0x2800  }
0x24: {  	s13 =	smov.u32 s15;
	s11 =	sadd.s32 $0x500, s11;
	[sflag:s7] =	ssyncset.done $0x0  }
0x25: {  	s12 =	sadd.s32 s12, s6;
	[sflag:s7] =	ssyncadd.s32 $0xFFFFD800  }
0x26: {  	[tilespmem:s3], [sflag:$0x1] =	stream.linear.gather [hbm4b:s12+s3], $0x50, $0x38;
	[tilespmem:$0x2880] =	vst v63  }
0x27: {  	_ =	swait.ge [sflag:s7], $0x50  }
0x28: {  	[sflag:s7] =	ssyncset.done $0x0  }
0x29: {  	[sflag:s7] =	ssyncadd.s32 $0xFFFFFFB0  }
0x2a: {  	[tilespmem:s9], [sflag:$0x1] =	stream.indirect.gather [hbm4b:s2+s8], $0x80, s3, s8, $0xb8;
	[tilespmem:$0x2880] =	vst v63  }
0x2b: {  	s10 =	sadd.s32 $0x1, s10;
	_ =	swait.ge [sflag:s7], $0x2800  }
0x2c: {  	p0 =	sne.s32 s10, s4;
	[sflag:s7] =	ssyncset.done $0x0  }
.Ltmp1:
0x2d: {  	[sflag:s7] =	ssyncadd.s32 $0xFFFFD800;
	(pc) =	sbr.rel @p0 .LBB2_1-.Ltmp1, $4  }
0x2e: {  	[hbm4b:s11+s3] =	stream.linear.scatter [tilespmem:s9], [sflag:$0x1], $0x2800, $0x38;
	[tilespmem:$0x2880] =	vst v63  }
0x2f: {  	_ =	swait.ge [sflag:s7], $0x2800  }
0x30: {  	[sflag:s7] =	ssyncset.done $0x0  }
0x31: {  	[sflag:s7] =	ssyncadd.s32 $0xFFFFD800  }
0x32: {  	_ =	sfence.sel $0x180000  }
0x33: {  	[bflag:$0x0] =	sbarrier.arrive $0xFFFF  }
0x34: {  	p0 =	sne.s32 s1, $0x0;
	_ =	strace $0x9000004D  }
0x35: {  	s0 =	sadd.s32 @!p0 $0x100000, s0;
	[bflag:$0x2] =	sbarrier.arrive $0xFFFF  }
0x36: {  	[sflag:s0] =	ssyncadd.tile.s32 @!p0 $0x1;
	_ =	shalt  }
.Lfunc_end2:
_tile_overlayer_lowered:
.L_overlay_start_2:
0x37: {  	(tag) =	ssettag $0x2  }
0x38: {  	s0 =	rddreg [dreg:$0x0];
	s2 =	stileid.u32  }
0x39: {  	s1 =	rddreg [dreg:$0x1];
	p0 =	sne.s32 s2, $0x0  }
0x3a: {  	s3 =	rddreg [dreg:$0x2];
	[bflag:$0x3] =	sbarrier.arrive $0xFFFF;
	s2 =	simm.s32 @!p0 $0x1C01  }
0x3b: {  	[timem:s3], [sflag:s2] =	dma.local @!p0 [hbm:s0], s1  }
0x3c: {  	s0 =	simm.s32 @!p0 $0x1  }
0x3d: {  	_ =	swait.ge @!p0 [sflag:s0], s1  }
0x3e: {  	s1 =	ssub.s32 @!p0 $0x0, s1;
	[sflag:s0] =	ssyncset.done @!p0 $0x0  }
0x3f: {  	[sflag:s0] =	ssyncadd.s32 @!p0 s1  }
0x40: {  	[bflag:$0x3] =	sbarrier.arrive $0xFFFF  }
0x41: {  	_ =	shalt  }

// kernel: kernel.19.cloned.1.call-start
scs
__scs_entry_jumppad:
0x0: {  	(pc) =	sbr.rel $0x88, $3  }
0x1: {  	(tag) =	ssettag $0x0;
	lr =	simm.s32 $0x1  }
0x2: {  	[smem:$0x3F96] =	sst lr;
	_ =	strace $0xD0000000  }
0x3: {  	_ = 	snop  }
0x4: {  	_ = 	snop  }
0x5: {  	_ = 	snop  }
0x6: {  	_ = 	snop  }
0x7: {  	_ = 	snop  }
__scs_overlays_trampoline_lowered:
0x8: {  	[smem:$0x3FA5] =	sst s0  }
0x9: {  	[smem:$0x3FA6] =	sst s1  }
0xa: {  	[smem:$0x3FA7] =	sst s2  }
0xb: {  	[smem:$0x3FA8] =	sst s3  }
0xc: {  	[smem:$0x3FA9] =	sst s4  }
0xd: {  	[smem:$0x3FAA] =	sst s5  }
0xe: {  	[smem:$0x3FAB] =	sst s6  }
0xf: {  	[smem:$0x3FAC] =	sst s7  }
0x10: {  	[smem:$0x3FAD] =	sst s8  }
0x11: {  	[smem:$0x3FAE] =	sst s9;
	s0 =	simm.s32 @!p0 $0x0  }
0x12: {  	s1 =	sld [smem:$0x3F94];
	s0 =	simm.s32 @p0 $0x1  }
0x13: {  	[smem:$0x3FAF] =	sst s0;
	s0 =	simm.s32 @!p1 $0x0  }
0x14: {  	s2 =	sld [smem:$0x3F93];
	s0 =	simm.s32 @p1 $0x1  }
0x15: {  	[smem:$0x3FB0] =	sst s0;
	s0 =	simm.s32 @!p2 $0x0  }
0x16: {  	s3 =	sld [smem:$0x3FDB];
	s0 =	simm.s32 @p2 $0x1  }
0x17: {  	s4 =	simm.s32 $0x1BF5;
	[smem:$0x3FB2] =	sst s0  }
0x18: {  	s0 =	sld [smem:$0x3F95];
	_ =	swait.ge [sflag:s4], $0x0  }
0x19: {  	s7 =	sld [smem:$0x3F96]  }
0x1a: {  	s8 =	sadd.s32 $0xFFFFE003, lr  }
0x1b: {  	s9 =	sadd.s32 $0xFFFFFEF7, lr;
	s5 =	simm.s32 $0xFFFFFFFF;
	p2 =	slt.u32 s8, $0xFFFFF086  }
0x1c: {  	p1 =	slt.u32 s9, $0xF7A;
	s5 =	simm.s32 @!p2 $0x0  }
0x1d: {  	s5 =	simm.s32 @p1 $0x1;
	p0 =	seq.s32 s7, s2  }
0x1e: {  	s7 =	smul.u32 @!p0 $0xF7A, s2;
	p2 =	seq.s32 @!p0 s5, $0x0  }
0x1f: {  	s9 =	smul.u32 $0xF7A, s1;
	s8 =	simm.s32 @!p0 $0x1BF5;
	p2 =	por !p2, p0  }
0x20: {  	[sflag:s8] =	ssyncset.s32 @!p0 $0xFFFFF086;
	s6 =	sadd.s32 @!p0 s3, s7;
	s7 =	simm.s32 @!p0 $0x108  }
0x21: {  	s3 =	sadd.s32 s3, s9;
	s6 =	sadd.s32 @!p0 $0x88, s6;
	s7 =	simm.s32 @p2 $0x1082  }
0x22: {  	[simem:s7], [sflag:s8] =	dma.local @!p0 [hbm:s6], $0xF7A  }
0x23: {  	s9 =	sor.u32 $0xD0000000, s2;
	s6 =	simm.s32 $0x108;
	_ =	swait.ge @!p0 [sflag:s8], $0x0  }
0x24: {  	s3 =	sadd.s32 $0x88, s3;
	s6 =	simm.s32 @!p1 $0x1082;
	[sflag:s4] =	ssyncset.s32 $0xFFFFF086  }
0x25: {  	[simem:s6], [sflag:s4] =	dma.local [hbm:s3], $0xF7A  }
0x26: {  	[smem:$0x3F96] =	sst s1;
	(tag) =	ssettag s2;
	_ =	strace s9  }
0x27: {  	s1 =	sld [smem:$0x3FA6]  }
0x28: {  	s2 =	sld [smem:$0x3FA7]  }
0x29: {  	s4 =	sld [smem:$0x3FA9]  }
0x2a: {  	p0 =	seq.s32 s5, $0x0;
	s5 =	sld [smem:$0x3FAA]  }
0x2b: {  	s6 =	sld [smem:$0x3FAB]  }
0x2c: {  	s7 =	sld [smem:$0x3FAC]  }
0x2d: {  	s3 =	simm.s32 $0x108;
	s8 =	sld [smem:$0x3FAD]  }
0x2e: {  	s3 =	simm.s32 @!p0 $0x1082;
	s9 =	sld [smem:$0x3FAE]  }
0x2f: {  	lr =	sadd.s32 s0, s3;
	s0 =	sld [smem:$0x3FA5]  }
0x30: {  	s3 =	sld [smem:$0x3FA8]  }
0x31: {  	[smem:$0x3FB1] =	sst s10  }
0x32: {  	s10 =	sld [smem:$0x3FAF];
	_ =	sdelay $0x3  }
0x33: {  	p0 =	seq.s32 s10, $0x1;
	s10 =	sld [smem:$0x3FB1];
	_ =	sdelay $0x3  }
0x34: {  	[smem:$0x3FB1] =	sst s10  }
0x35: {  	s10 =	sld [smem:$0x3FB0];
	_ =	sdelay $0x3  }
0x36: {  	p1 =	seq.s32 s10, $0x1;
	s10 =	sld [smem:$0x3FB1];
	_ =	sdelay $0x3  }
0x37: {  	[smem:$0x3FB1] =	sst s10  }
0x38: {  	s10 =	sld [smem:$0x3FB2]  }
0x39: {  	_ = 	snop;
	(pc) =	sbr.ind lr, $3  }
0x3a: {  	_ = 	snop  }
0x3b: {  	_ = 	snop  }
0x3c: {  	p2 =	seq.s32 s10, $0x1;
	s10 =	sld [smem:$0x3FB1]  }
0x3d: {  	_ =	shalt  }
0x3e: {  	_ =	shalt  }
0x3f: {  	_ =	shalt  }
0x40: {  	_ =	shalt  }
0x41: {  	_ =	shalt  }
0x42: {  	_ =	shalt  }
0x43: {  	_ =	shalt  }
0x44: {  	_ =	shalt  }
0x45: {  	_ =	shalt  }
0x46: {  	_ =	shalt  }
0x47: {  	_ =	shalt  }
0x48: {  	_ =	shalt  }
0x49: {  	_ =	shalt  }
0x4a: {  	_ =	shalt  }
0x4b: {  	_ =	shalt  }
0x4c: {  	_ =	shalt  }
0x4d: {  	_ =	shalt  }
0x4e: {  	_ =	shalt  }
0x4f: {  	_ =	shalt  }
0x50: {  	_ =	shalt  }
0x51: {  	_ =	shalt  }
0x52: {  	_ =	shalt  }
0x53: {  	_ =	shalt  }
0x54: {  	_ =	shalt  }
0x55: {  	_ =	shalt  }
0x56: {  	_ =	shalt  }
0x57: {  	_ =	shalt  }
0x58: {  	_ =	shalt  }
0x59: {  	_ =	shalt  }
0x5a: {  	_ =	shalt  }
0x5b: {  	_ =	shalt  }
0x5c: {  	_ =	shalt  }
0x5d: {  	_ =	shalt  }
0x5e: {  	_ =	shalt  }
0x5f: {  	_ =	shalt  }
0x60: {  	_ =	shalt  }
0x61: {  	_ =	shalt  }
0x62: {  	_ =	shalt  }
0x63: {  	_ =	shalt  }
0x64: {  	_ =	shalt  }
0x65: {  	_ =	shalt  }
0x66: {  	_ =	shalt  }
0x67: {  	_ =	shalt  }
0x68: {  	_ =	shalt  }
0x69: {  	_ =	shalt  }
0x6a: {  	_ =	shalt  }
0x6b: {  	_ =	shalt  }
0x6c: {  	_ =	shalt  }
0x6d: {  	_ =	shalt  }
0x6e: {  	_ =	shalt  }
0x6f: {  	_ =	shalt  }
0x70: {  	_ =	shalt  }
0x71: {  	_ =	shalt  }
0x72: {  	_ =	shalt  }
0x73: {  	_ =	shalt  }
0x74: {  	_ =	shalt  }
0x75: {  	_ =	shalt  }
0x76: {  	_ =	shalt  }
0x77: {  	_ =	shalt  }
0x78: {  	_ =	shalt  }
0x79: {  	_ =	shalt  }
0x7a: {  	_ =	shalt  }
0x7b: {  	_ =	shalt  }
0x7c: {  	_ =	shalt  }
0x7d: {  	_ =	shalt  }
0x7e: {  	_ =	shalt  }
0x7f: {  	_ =	shalt  }
0x80: {  	_ =	shalt  }
0x81: {  	_ =	shalt  }
0x82: {  	_ =	shalt  }
0x83: {  	_ =	shalt  }
0x84: {  	_ =	shalt  }
0x85: {  	_ =	shalt  }
0x86: {  	_ =	shalt  }
0x87: {  	_ =	shalt  }
.Lfunc_end0:
.L_simem_size_0:
called_computation.3_lowered:
.L_overlay_start_0:
0x88: {  	s2 =	sld [smem:$0x3FD9]  }
0x89: {  	s3 =	sld [smem:$0x3FFE];
	_ =	sdelay $0x1  }
0x8a: {  	s1 =	srdreg.scid  }
0x8b: {  	s0 =	sand.u32 $0x1, s1  }
0x8c: {  	s17 =	sshll.u32 s0, $0xA;
	s2 =	sadd.s32 s3, s2  }
0x8d: {  	s2 =	sadd.s32 s2, s17  }
0x8e: {  	[smem:$0x3FBD] =	sst s2  }
0x8f: {  	_ = 	snop  }
0x90: {  	s2 =	sld [smem:$0x3FD0];
	(tm) =	ssettm $0x1  }
0x91: {  	s18 =	sld [smem:$0x3FFB];
	_ =	sdelay $0x3  }
0x92: {  	_ =	strace s18  }
0x93: {  	s3 =	sld [smem:$0x3FFC];
	_ =	sdelay $0x3  }
0x94: {  	_ =	strace s3  }
0x95: {  	s3 =	sld [smem:$0x3FFD];
	_ =	sdelay $0x3  }
0x96: {  	_ =	strace s3  }
0x97: {  	_ =	strace $0x8FFFFFFF  }
0x98: {  	s19 =	sld [smem:$0x3FDB];
	_ =	sdelay $0x1  }
0x99: {  	s4 =	simm.s32 $_scs_section_size  }
0x9a: {  	s5 =	simm.s32 $_size__tile_overlayer_lowered;
	s6 =	simm.s32 $_tile_overlayer_lowered  }
0x9b: {  	s22 =	simm.s32 $0x1BFF;
	s21 =	sshll.u32 s6, $0x1;
	s3 =	sadd.s32 s4, s19  }
0x9c: {  	s7 =	simm.s32 $0x0;
	s20 =	sshll.u32 s5, $0x1;
	s5 =	sadd.s32 s21, s3  }
0x9d: {  	[timem:s7], [sflag:s22] =	dma.local [hbm:s5], s20  }
0x9e: {  	_ =	swait.ge [sflag:s22], s20  }
0x9f: {  	s4 =	ssub.s32 $0x0, s20;
	[sflag:s22] =	ssyncset.done $0x0  }
0xa0: {  	[sflag:s22] =	ssyncadd.s32 s4;
	_ =	sdelay $0x1  }
0xa1: {  	s23 =	simm.s32 $0x1B8B  }
0xa2: {  	_ =	swait.ge [sflag:s23], $0x1  }
0xa3: {  	[sflag:s23] =	ssyncset.done $0x0  }
0xa4: {  	s25 =	simm.s32 $0x1B8E;
	s24 =	sld [smem:$0x3FFE];
	[sflag:s23] =	ssyncadd.s32 $0xFFFFFFFF  }
0xa5: {  	s26 =	simm.s32 $execute0_lowered;
	[smem:$0x3FD2] =	sst s25  }
0xa6: {  	s5 =	sshll.u32 s26, $0x1;
	_ =	strace $0x8000004F;
	[dreg:$0x1] =	wrdreg $0xFFFFFFFF  }
0xa7: {  	s28 =	simm.s32 $_size_execute0_lowered;
	s3 =	sadd.s32 s3, s5;
	[dreg:$0x0] =	wrdreg $0x0  }
0xa8: {  	s5 =	sshll.u32 s28, $0x1;
	[dreg:$0x2] =	wrdreg s3  }
0xa9: {  	[dreg:$0x3] =	wrdreg s5  }
0xaa: {  	[dreg:$0x4] =	wrdreg $0xC0  }
0xab: {  	_ =	task [dreg:s7], $0x5FFFF  }
0xac: {  	[dreg:$0x1] =	wrdreg $0xFFFFFFFF  }
0xad: {  	[dreg:$0x0] =	wrdreg $0x60  }
0xae: {  	[dreg:$0x2] =	wrdreg s24  }
0xaf: {  	[dreg:$0x3] =	wrdreg s2  }
0xb0: {  	[dreg:$0x4] =	wrdreg $0x28800  }
0xb1: {  	[dreg:$0x5] =	wrdreg $0x9  }
0xb2: {  	_ =	task.clear_ibuf [dreg:s7], $0x6FFFF;
	_ =	strace $0x9000004F  }
0xb3: {  	s29 =	simm.s32 $0x9;
	_ =	strace $0x80000051  }
0xb4: {  	_ =	swait.ge [sflag:s29], $0x1  }
0xb5: {  	[sflag:s29] =	ssyncadd.s32 $0xFFFFFFFF  }
0xb6: {  	_ =	strace $0x90000051  }
0xb7: {  	_ =	sfence  }
0xb8: {  	s30 =	sld [smem:$0x0];
	_ =	sdelay $0x2  }
0xb9: {  	s31 =	sshll.u32 s1, $0xD;
	s1 =	sshrl.u32 s1, $0x2  }
0xba: {  	s3 =	sand.u32 $0x4000, s31;
	s1 =	sadd.s32 s1, s30  }
0xbb: {  	s0 =	sor.u32 s3, s0;
	s1 =	sshll.u32 s1, $0x11  }
0xbc: {  	s0 =	sor.u32 s1, s0  }
0xbd: {  	s0 =	sadd.s32 $0x8F2B, s0  }
0xbe: {  	[sflag:s0] =	ssyncadd.remote.s32 $0x1  }
0xbf: {  	_ =	sfence.sel $0xFFFF  }
0xc0: {  	[dreg:$0x0] =	wrdreg $0xFFFFFFFF;
	(pc) =	sbr.abs _section_cstart, $3  }
0xc1: {  	[dreg:$0x1] =	wrdreg $0xFFFFFFFF  }
0xc2: {  	_ =	task.clear_ibuf [dreg:s7], $0x2FFFF;
	_ =	strace $0x9FFFFFFF  }
0xc3: {  	(tm) =	ssettm $0x7FFFFFFF  }
tec
execute0_lowered:
.L_overlay_start_1:
0x0: {  	(tag) =	ssettag $0x1  }
0x1: {  	s3 =	rddreg [dreg:$0x0]  }
0x2: {  	s4 =	rddreg [dreg:$0x1]  }
0x3: {  	s1 =	rddreg [dreg:$0x2]  }
0x4: {  	s0 =	rddreg [dreg:$0x3];
	s2 =	simm.s32 $0x0  }
0x5: {  	s8 =	stileid.u32;
	s5 =	srdreg.scid;
	s12 =	simm.s32 $0x50  }
0x6: {  	s13 =	simm.s32 $0x0;
	[smem:$0x7FF] =	sst s2;
	s6 =	smul.u32 $0x4E200, s8  }
0x7: {  	s5 =	sand.u32 $0x1, s5;
	s7 =	smul.u32 $0x9C4, s8;
	p0 =	sne.s32 s8, $0x0  }
0x8: {  	_ =	strace $0x80000050;
	s9 =	ssub.s32 $0x2, s5;
	s11 =	smul.u32 $0x27100, s5  }
.Ltmp0:
0x9: {  	p1 =	seq.s32 s5, $0x1;
	s10 =	sadd.s32 s6, s3;
	(pc) =	sbr.rel .LBB2_1-.Ltmp0, $4  }
0xa: {  	s31 =	sshrl.u32 s9, $0x1;
	s7 =	sadd.s32 s7, s3;
	s3 =	sadd.s32 $0x13ECE00, s3  }
0xb: {  	s6 =	ssub.s32 s9, s31;
	s4 =	sadd.s32 s4, s11;
	s7 =	sadd.s32 $0xCE00, s7  }
0xc: {  	s8 =	sadd.s32 $0x1DB1000, s10;
	s9 =	sshrl.u32 @!p0 s1, $0x3;
	s11 =	simm.s32 $0x80  }
0xd: {  	s5 =	smax.u32 s6, $0x1;
	s6 =	sadd.s32 $0x4F8C00, s10;
	s10 =	simm.s32 $0x1  }
.LBB2_7:
0xe: {  	s15 =	sadd.s32 s15, s7;
	[sflag:s10] =	ssyncadd.s32 $0xFFFFD800  }
0xf: {  	[tilespmem:s2], [sflag:$0x1] =	stream.linear.gather [hbm4b:s15+s2], $0x50, $0x38;
	[tilespmem:$0x16100] =	vst v63  }
0x10: {  	_ =	swait.ge [sflag:s10], $0x50  }
0x11: {  	[sflag:s10] =	ssyncset.done $0x0  }
0x12: {  	[sflag:s10] =	ssyncadd.s32 $0xFFFFFFB0  }
0x13: {  	[tilespmem:s11], [sflag:$0x1] =	stream.linear.gather [hbm4b:s14+s2], $0x2800, $0x38;
	[tilespmem:$0x16100] =	vst v63  }
0x14: {  	_ =	swait.ge [sflag:s10], $0x2800  }
0x15: {  	[sflag:s10] =	ssyncset.done $0x0  }
0x16: {  	[sflag:s10] =	ssyncadd.s32 $0xFFFFD800  }
0x17: {  	[spmem:s1] =	stream.indirect.scatter.add.f32 [tilespmem:s11], [sflag:$0x1], $0x80, s2, s12, $0xb8;
	[tilespmem:$0x16100] =	vst v63  }
0x18: {  	_ =	swait.ge [sflag:s10], $0x2800  }
0x19: {  	[sflag:s10] =	ssyncset.done $0x0  }
0x1a: {  	[sflag:s10] =	ssyncadd.s32 $0xFFFFD800  }
.LBB2_8:
0x1b: {  	[bflag:$0x0] =	sbarrier.arrive $0xFFFF;
	s14 =	simm.s32 @!p0 $0x1C01;
	s13 =	sadd.s32 $0x1, s13  }
0x1c: {  	[hbm:s4], [sflag:s14] =	dma.local @!p0 [spmem:s9], $0x27100  }
0x1d: {  	p2 =	sne.s32 s13, s5  }
.Ltmp1:
0x1e: {  	_ = 	snop;
	(pc) =	sbr.rel @!p2 .LBB2_9-.Ltmp1, $4  }
0x1f: {  	s14 =	simm.s32 @!p0 $0x1  }
0x20: {  	_ =	swait.ge @!p0 [sflag:s14], $0x27100  }
0x21: {  	[sflag:s14] =	ssyncset.done @!p0 $0x0  }
0x22: {  	[sflag:s14] =	ssyncadd.s32 @!p0 $0xFFFD8F00  }
.LBB2_1:
0x23: {  	s14 =	simm.s32 @!p0 $0x1C01  }
0x24: {  	[spmem:s9], [sflag:s14] =	dma.local @!p0 [hbm:s3], $0x27100  }
0x25: {  	s14 =	simm.s32 @!p0 $0x1  }
.Ltmp2:
0x26: {  	_ =	swait.ge @!p0 [sflag:s14], $0x27100;
	(pc) =	sbr.rel @!p1 .LBB2_2-.Ltmp2, $4  }
0x27: {  	[sflag:s14] =	ssyncset.done @!p0 $0x0  }
0x28: {  	[sflag:s14] =	ssyncadd.s32 @!p0 $0xFFFD8F00  }
0x29: {  	[bflag:$0x0] =	sbarrier.arrive $0xFFFF  }
0x2a: {  	s14 =	sadd.s32 $0x0, s7  }
0x2b: {  	[tilespmem:s2], [sflag:$0x1] =	stream.linear.gather [hbm4b:s14+s2], $0x50, $0x38;
	[tilespmem:$0x16100] =	vst v63  }
0x2c: {  	_ =	swait.ge [sflag:s10], $0x50  }
0x2d: {  	[sflag:s10] =	ssyncset.done $0x0  }
0x2e: {  	[sflag:s10] =	ssyncadd.s32 $0xFFFFFFB0  }
0x2f: {  	[tilespmem:s11], [sflag:$0x1] =	stream.linear.gather [hbm4b:s8+s2], $0x2800, $0x38;
	[tilespmem:$0x16100] =	vst v63  }
0x30: {  	_ =	swait.ge [sflag:s10], $0x2800  }
0x31: {  	[sflag:s10] =	ssyncset.done $0x0  }
0x32: {  	[sflag:s10] =	ssyncadd.s32 $0xFFFFD800  }
0x33: {  	[spmem:s1] =	stream.indirect.scatter.add.f32 [tilespmem:s11], [sflag:$0x1], $0x80, s2, s12, $0xb8;
	[tilespmem:$0x16100] =	vst v63  }
0x34: {  	s15 =	simm.s32 $0xA;
	_ =	swait.ge [sflag:s10], $0x2800  }
0x35: {  	s16 =	simm.s32 $0x14;
	s14 =	sadd.s32 $0x500, s8;
	[sflag:s10] =	ssyncset.done $0x0  }
.LBB2_6:
0x36: {  	s17 =	sadd.s32 s15, s7  }
0x37: {  	[sflag:s10] =	ssyncadd.s32 $0xFFFFD800;
	s15 =	smov.u32 s16;
	s18 =	sadd.s32 $0xA, s16  }
0x38: {  	[tilespmem:s2], [sflag:$0x1] =	stream.linear.gather [hbm4b:s17+s2], $0x50, $0x38;
	[tilespmem:$0x16100] =	vst v63  }
0x39: {  	p2 =	sne.s32 s16, $0x9BA;
	_ =	swait.ge [sflag:s10], $0x50  }
0x3a: {  	[sflag:s10] =	ssyncset.done $0x0  }
0x3b: {  	[sflag:s10] =	ssyncadd.s32 $0xFFFFFFB0  }
0x3c: {  	[tilespmem:s11], [sflag:$0x1] =	stream.linear.gather [hbm4b:s14+s2], $0x2800, $0x38;
	[tilespmem:$0x16100] =	vst v63  }
0x3d: {  	_ =	swait.ge [sflag:s10], $0x2800  }
.Ltmp3:
0x3e: {  	[sflag:s10] =	ssyncset.done $0x0;
	(pc) =	sbr.rel @p2 .LBB2_6-.Ltmp3, $4  }
0x3f: {  	[sflag:s10] =	ssyncadd.s32 $0xFFFFD800  }
0x40: {  	[spmem:s1] =	stream.indirect.scatter.add.f32 [tilespmem:s11], [sflag:$0x1], $0x80, s2, s12, $0xb8;
	[tilespmem:$0x16100] =	vst v63  }
0x41: {  	_ =	swait.ge [sflag:s10], $0x2800  }
0x42: {  	s16 =	smov.u32 s18;
	s14 =	sadd.s32 $0x500, s14;
	[sflag:s10] =	ssyncset.done $0x0  }
.Ltmp4:
0x43: {  	_ = 	snop;
	(pc) =	sbr.rel .LBB2_7-.Ltmp4, $1  }
0x44: {  	_ =	sdelay $0x3  }
.LBB2_2:
0x45: {  	[tilespmem:s2], [sflag:$0x1] =	stream.linear.gather [hbm4b:s14+s2], $0x50, $0x38;
	[tilespmem:$0x16100] =	vst v63  }
0x46: {  	_ =	swait.ge [sflag:s10], $0x50  }
0x47: {  	[sflag:s10] =	ssyncset.done $0x0  }
0x48: {  	[sflag:s10] =	ssyncadd.s32 $0xFFFFFFB0  }
0x49: {  	[tilespmem:s11], [sflag:$0x1] =	stream.linear.gather [hbm4b:s6+s2], $0x2800, $0x38;
	[tilespmem:$0x16100] =	vst v63  }
0x4a: {  	_ =	swait.ge [sflag:s10], $0x2800  }
0x4b: {  	[sflag:s10] =	ssyncset.done $0x0  }
0x4c: {  	[sflag:s10] =	ssyncadd.s32 $0xFFFFD800  }
0x4d: {  	[spmem:s1] =	stream.indirect.scatter.add.f32 [tilespmem:s11], [sflag:$0x1], $0x80, s2, s12, $0xb8;
	[tilespmem:$0x16100] =	vst v63  }
0x4e: {  	s15 =	simm.s32 $0xA;
	_ =	swait.ge [sflag:s10], $0x2800  }
0x4f: {  	s16 =	simm.s32 $0x14;
	s14 =	sadd.s32 $0x500, s6;
	[sflag:s10] =	ssyncset.done $0x0  }
.LBB2_3:
0x50: {  	s17 =	sadd.s32 s15, s7  }
0x51: {  	[sflag:s10] =	ssyncadd.s32 $0xFFFFD800;
	s15 =	smov.u32 s16;
	s18 =	sadd.s32 $0xA, s16  }
0x52: {  	[tilespmem:s2], [sflag:$0x1] =	stream.linear.gather [hbm4b:s17+s2], $0x50, $0x38;
	[tilespmem:$0x16100] =	vst v63  }
0x53: {  	p2 =	seq.s32 s16, $0x9BA;
	_ =	swait.ge [sflag:s10], $0x50  }
0x54: {  	[sflag:s10] =	ssyncset.done $0x0  }
0x55: {  	[sflag:s10] =	ssyncadd.s32 $0xFFFFFFB0  }
0x56: {  	[tilespmem:s11], [sflag:$0x1] =	stream.linear.gather [hbm4b:s14+s2], $0x2800, $0x38;
	[tilespmem:$0x16100] =	vst v63  }
0x57: {  	_ =	swait.ge [sflag:s10], $0x2800  }
.Ltmp5:
0x58: {  	[sflag:s10] =	ssyncset.done $0x0;
	(pc) =	sbr.rel @!p2 .LBB2_3-.Ltmp5, $4  }
0x59: {  	[sflag:s10] =	ssyncadd.s32 $0xFFFFD800  }
0x5a: {  	[spmem:s1] =	stream.indirect.scatter.add.f32 [tilespmem:s11], [sflag:$0x1], $0x80, s2, s12, $0xb8;
	[tilespmem:$0x16100] =	vst v63  }
0x5b: {  	_ =	swait.ge [sflag:s10], $0x2800  }
0x5c: {  	s16 =	smov.u32 s18;
	s14 =	sadd.s32 $0x500, s14;
	[sflag:s10] =	ssyncset.done $0x0  }
0x5d: {  	s15 =	sadd.s32 s15, s7;
	[sflag:s10] =	ssyncadd.s32 $0xFFFFD800  }
0x5e: {  	[tilespmem:s2], [sflag:$0x1] =	stream.linear.gather [hbm4b:s15+s2], $0x50, $0x38;
	[tilespmem:$0x16100] =	vst v63  }
0x5f: {  	_ =	swait.ge [sflag:s10], $0x50  }
0x60: {  	[sflag:s10] =	ssyncset.done $0x0  }
0x61: {  	[sflag:s10] =	ssyncadd.s32 $0xFFFFFFB0  }
0x62: {  	[tilespmem:s11], [sflag:$0x1] =	stream.linear.gather [hbm4b:s14+s2], $0x2800, $0x38;
	[tilespmem:$0x16100] =	vst v63  }
0x63: {  	_ =	swait.ge [sflag:s10], $0x2800  }
0x64: {  	[sflag:s10] =	ssyncset.done $0x0  }
.Ltmp6:
0x65: {  	[sflag:s10] =	ssyncadd.s32 $0xFFFFD800;
	(pc) =	sbr.rel .LBB2_8-.Ltmp6, $4  }
0x66: {  	[spmem:s1] =	stream.indirect.scatter.add.f32 [tilespmem:s11], [sflag:$0x1], $0x80, s2, s12, $0xb8;
	[tilespmem:$0x16100] =	vst v63  }
0x67: {  	_ =	swait.ge [sflag:s10], $0x2800  }
0x68: {  	[sflag:s10] =	ssyncset.done $0x0  }
0x69: {  	[sflag:s10] =	ssyncadd.s32 $0xFFFFD800  }
.LBB2_9:
0x6a: {  	_ =	sfence.sel $0x180000  }
0x6b: {  	[bflag:$0x0] =	sbarrier.arrive $0xFFFF  }
0x6c: {  	_ =	strace $0x90000050  }
0x6d: {  	s0 =	sadd.s32 @!p0 $0x100000, s0;
	[bflag:$0x2] =	sbarrier.arrive $0xFFFF  }
0x6e: {  	[sflag:s0] =	ssyncadd.tile.s32 @!p0 $0x1;
	_ =	shalt  }
.Lfunc_end2:
_tile_overlayer_lowered:
.L_overlay_start_2:
0x6f: {  	(tag) =	ssettag $0x2  }
0x70: {  	s0 =	rddreg [dreg:$0x0];
	s2 =	stileid.u32  }
0x71: {  	s1 =	rddreg [dreg:$0x1];
	p0 =	sne.s32 s2, $0x0  }
0x72: {  	s3 =	rddreg [dreg:$0x2];
	[bflag:$0x3] =	sbarrier.arrive $0xFFFF;
	s2 =	simm.s32 @!p0 $0x1C01  }
0x73: {  	[timem:s3], [sflag:s2] =	dma.local @!p0 [hbm:s0], s1  }
0x74: {  	s0 =	simm.s32 @!p0 $0x1  }
0x75: {  	_ =	swait.ge @!p0 [sflag:s0], s1  }
0x76: {  	s1 =	ssub.s32 @!p0 $0x0, s1;
	[sflag:s0] =	ssyncset.done @!p0 $0x0  }
0x77: {  	[sflag:s0] =	ssyncadd.s32 @!p0 s1  }
0x78: {  	[bflag:$0x3] =	sbarrier.arrive $0xFFFF  }
0x79: {  	_ =	shalt  }

</sc_bundles>
